<compile_context>
chip_gen: v7x
topology: tpu7x:2x2x1
jax: 0.10.2.dev20260603
libtpu: 0.0.44.dev20260713+nightly
codegen_flags: <defaults>
</compile_context>

<pallas_src>
import jax
import jax.numpy as jnp
from jax import lax
from jax.experimental import pallas as pl
from jax.experimental.pallas import tpu as pltpu
from jax.experimental.pallas import tpu_sc as plsc

_N = 10000
_E = 320000
_D = 128

_NC = 2
_NS = 16
_NW = _NC * _NS
_DH = _D // _NC
_EPT = _E // _NS
_K = 80
_NB = _EPT // _K
_R = 5
_NP = 10240
_RPT = _NP // _NS


def _bn_relu(y, g, be):
    mu = jnp.mean(y, axis=0, keepdims=True)
    var = jnp.mean((y - mu) ** 2, axis=0, keepdims=True)
    return jnp.maximum(g * (y - mu) / jnp.sqrt(var + 1e-5) + be, 0.0)


def _matmul_t(x, w):
    return lax.dot_general(x, w, (((1,), (1,)), ((), ())),
                           preferred_element_type=jnp.float32)


def _mlp_body(x_ref, W1, b1, g1, be1, W2, b2, g2, be2, out_ref):
    x = x_ref[...]
    y = _bn_relu(_matmul_t(x, W1[...]) + b1[...], g1[...], be1[...])
    out_ref[...] = _bn_relu(_matmul_t(y, W2[...]) + b2[...], g2[...], be2[...])


def _mlp_split_body(x_ref, W1, b1, g1, be1, W2, b2, g2, be2, out_ref):
    x = x_ref[...]
    y = _bn_relu(_matmul_t(x, W1[...]) + b1[...], g1[...], be1[...])
    h = _bn_relu(_matmul_t(y, W2[...]) + b2[...], g2[...], be2[...])
    out_ref[0] = h[:, :_DH]
    out_ref[1] = h[:, _DH:]


def _combine_body(hself_ref, accp_ref, degp_ref,
                  cW1, cb1, cg1, cbe1, cW2, cb2, cg2, cbe2,
                  out_ref):
    a0 = accp_ref[0, :_N]
    a1 = accp_ref[1, :_N]
    deg = jnp.sum(degp_ref[:, :_N], axis=0) * 0.5
    inv = 1.0 / jnp.maximum(deg[:, None], 1.0)
    hself = hself_ref[...]
    W1 = cW1[...]
    y = (_matmul_t(hself, W1[:, :_D])
         + _matmul_t(a0 * inv, W1[:, _D:_D + _DH])
         + _matmul_t(a1 * inv, W1[:, _D + _DH:])
         + cb1[...])
    y = _bn_relu(y, cg1[...], cbe1[...])
    y = _bn_relu(_matmul_t(y, cW2[...]) + cb2[...], cg2[...], cbe2[...])
    out_ref[...] = y


def _sc_body(hsrc2, ei4, zacc_hbm, zdeg_hbm,
             acc_out, deg_out, src_v, dst_v, rows_v, deg_v, acc, sem):
    c = lax.axis_index("c")
    s = lax.axis_index("s")
    wid = s * _NC + c
    table = hsrc2.at[c]

    base = s * _RPT
    pltpu.sync_copy(zacc_hbm, acc.at[pl.ds(base, _RPT)])
    pltpu.sync_copy(zdeg_hbm, deg_v)

    pltpu.sync_copy(ei4.at[0, s], src_v)
    pltpu.sync_copy(ei4.at[1, s], dst_v)
    plsc.subcore_barrier()

    one16 = jnp.ones((16,), jnp.float32)

    for b in range(_R):
        pltpu.async_copy(table.at[src_v.at[b]], rows_v[b], sem)

    def batch_group(jj, carry):
        for b in range(_R):
            j = jj * _R + b
            pltpu.make_async_copy(table.at[src_v.at[j]], rows_v[b], sem).wait()
            pltpu.sync_copy(rows_v[b], acc.at[dst_v.at[j]], add=True)

            @pl.when(j + _R < _NB)
            def _():
                pltpu.async_copy(table.at[src_v.at[j + _R]], rows_v[b], sem)

            for k in range(_K // 16):
                idx = dst_v[j, pl.ds(k * 16, 16)]
                plsc.addupdate_scatter(deg_v, [idx], one16)
        return carry

    lax.fori_loop(0, _NB // _R, batch_group, 0)
    plsc.subcore_barrier()

    pltpu.sync_copy(acc.at[pl.ds(base, _RPT)],
                    acc_out.at[c, pl.ds(base, _RPT)])
    pltpu.sync_copy(deg_v, deg_out.at[wid])


_SC_AGG_CACHE = []


def _sc_aggregate_fn():
    if not _SC_AGG_CACHE:
        _SC_AGG_CACHE.append(_build_sc_aggregate())
    return _SC_AGG_CACHE[0]


def _build_sc_aggregate():
    return pl.kernel(
        _sc_body,
        out_type=(
            jax.ShapeDtypeStruct((_NC, _NP, _DH), jnp.float32),
            jax.ShapeDtypeStruct((_NW, _NP), jnp.float32),
        ),
        mesh=plsc.VectorSubcoreMesh(core_axis_name="c", subcore_axis_name="s",
                                    num_cores=_NC, num_subcores=_NS),
        compiler_params=pltpu.CompilerParams(needs_layout_passes=False,
                                             use_tc_tiling_on_sc=False),
        scratch_types=[
        pltpu.VMEM((_NB, _K), jnp.int32),
        pltpu.VMEM((_NB, _K), jnp.int32),
        [pltpu.VMEM((_K, _DH), jnp.float32) for _ in range(_R)],
        pltpu.VMEM((_NP,), jnp.float32),
        pltpu.VMEM_SHARED((_NP, _DH), jnp.float32),
        pltpu.SemaphoreType.DMA,
        ],
    )


def kernel(x, edge_index,
           aggr_W1, aggr_b1, aggr_g1, aggr_be1,
           aggr_W2, aggr_b2, aggr_g2, aggr_be2,
           self_W1, self_b1, self_g1, self_be1,
           self_W2, self_b2, self_g2, self_be2,
           comb_W1, comb_b1, comb_g1, comb_be1,
           comb_W2, comb_b2, comb_g2, comb_be2):
    f32 = jnp.float32
    i32 = jnp.int32
    hsrc2 = pl.pallas_call(
        _mlp_split_body,
        out_shape=jax.ShapeDtypeStruct((_NC, _N, _DH), f32),
    )(x, aggr_W1, aggr_b1, aggr_g1, aggr_be1,
      aggr_W2, aggr_b2, aggr_g2, aggr_be2)
    hself = pl.pallas_call(
        _mlp_body, out_shape=jax.ShapeDtypeStruct((_N, _D), f32),
    )(x, self_W1, self_b1, self_g1, self_be1,
      self_W2, self_b2, self_g2, self_be2)
    ei4 = edge_index.astype(i32).reshape(2, _NS, _NB, _K)
    zacc = jnp.zeros((_RPT, _DH), f32)
    zdeg = jnp.zeros((_NP,), f32)
    accp, degp = _sc_aggregate_fn()(hsrc2, ei4, zacc, zdeg)

    out = pl.pallas_call(
        _combine_body,
        out_shape=jax.ShapeDtypeStruct((_N, _D), f32),
    )(hself, accp, degp,
      comb_W1, comb_b1, comb_g1, comb_be1,
      comb_W2, comb_b2, comb_g2, comb_be2)
    return out

# --- scband reference (transcript-rebuilt; emitter-appended) ---
"""Pipeline reference for scband-graph-conv-46660524704516 (READ-ONLY COPY).

The authoritative reference and input builder live on the scoring server;
editing this copy changes nothing except your own understanding.
"""

import jax, jax.numpy as jnp
import numpy as np

N = 10000
E = 320000
D = 128

def _bn(x, g, b):
    mu = jnp.mean(x, axis=0, keepdims=True)
    var = jnp.var(x, axis=0, keepdims=True)
    return g * (x - mu) / jnp.sqrt(var + 1e-5) + b

def _mlp(x, layers):
    for (W, b, g, be) in layers:
        x = jax.nn.relu(_bn(x @ W.T + b, g, be))
    return x

def setup_inputs(seed: int = 0):
    key = jax.random.key(seed)
    ks = jax.random.split(key, 16)
    inp = {}
    inp["x"] = jax.random.normal(ks[0], (N, D), dtype=jnp.float32)
    inp["edge_index"] = jax.random.randint(ks[1], (2, E), 0, N)
    def lin(k, out_f, in_f):
        return 0.05 * jax.random.normal(k, (out_f, in_f), dtype=jnp.float32)
    i = 2
    for pfx, in1 in [("aggr", D), ("self", D), ("comb", 2 * D)]:
        inp[pfx + "_W1"] = lin(ks[i], D, in1); i += 1
        inp[pfx + "_b1"] = jnp.zeros((D,), jnp.float32)
        inp[pfx + "_g1"] = jnp.ones((D,), jnp.float32)
        inp[pfx + "_be1"] = jnp.zeros((D,), jnp.float32)
        inp[pfx + "_W2"] = lin(ks[i], D, D); i += 1
        inp[pfx + "_b2"] = jnp.zeros((D,), jnp.float32)
        inp[pfx + "_g2"] = jnp.ones((D,), jnp.float32)
        inp[pfx + "_be2"] = jnp.zeros((D,), jnp.float32)
    return inp

def reference(x, edge_index, aggr_W1, aggr_b1, aggr_g1, aggr_be1, aggr_W2, aggr_b2, aggr_g2, aggr_be2, self_W1, self_b1, self_g1, self_be1, self_W2, self_b2, self_g2, self_be2, comb_W1, comb_b1, comb_g1, comb_be1, comb_W2, comb_b2, comb_g2, comb_be2):
    src = edge_index[0]
    dst = edge_index[1]
    # aggregation-stage MLP on source features (dropout=0 -> identity; BN in training mode uses batch stats)
    h_src = _mlp(x, [(aggr_W1, aggr_b1, aggr_g1, aggr_be1), (aggr_W2, aggr_b2, aggr_g2, aggr_be2)])
    # message passing: copy_u + mean reduce (DGL fills zero for isolated nodes)
    msg = jnp.take(h_src, src, axis=0)
    agg = jax.ops.segment_sum(msg, dst, num_segments=N)
    deg = jax.ops.segment_sum(jnp.ones((E, 1), jnp.float32), dst, num_segments=N)
    aggr_message = agg / jnp.maximum(deg, 1.0)
    # self branch
    h_self = _mlp(x, [(self_W1, self_b1, self_g1, self_be1), (self_W2, self_b2, self_g2, self_be2)])
    # combine
    out = _mlp(jnp.concatenate([h_self, aggr_message], axis=1), [(comb_W1, comb_b1, comb_g1, comb_be1), (comb_W2, comb_b2, comb_g2, comb_be2)])
    return out

if __name__ == "__main__":
    import jax
    _d = setup_inputs()
    print(jax.jit(kernel)(*tuple(_d.values())))

</pallas_src>

<mosaic_0001>
#map = affine_map<(d0, d1) -> (0, 0, 0)>
#map1 = affine_map<(d0, d1) -> (0, 0, 0, 0)>
#map2 = affine_map<(d0, d1) -> (0, 0)>
#map3 = affine_map<(d0, d1) -> (0)>
module attributes {stable_mosaic.version = 14 : i64} {
  func.func @_sc_body(%arg0: i32, %arg1: i32, %arg2: memref<2x10000x64xf32, #tpu.memory_space<hbm>>, %arg3: memref<2x16x250x80xi32, #tpu.memory_space<hbm>>, %arg4: memref<640x64xf32, #tpu.memory_space<hbm>>, %arg5: memref<10240xf32, #tpu.memory_space<hbm>>, %arg6: memref<2x10240x64xf32, #tpu.memory_space<hbm>>, %arg7: memref<32x10240xf32, #tpu.memory_space<hbm>>, %arg8: memref<250x80xi32, #tpu.memory_space<vmem>>, %arg9: memref<250x80xi32, #tpu.memory_space<vmem>>, %arg10: memref<80x64xf32, #tpu.memory_space<vmem>>, %arg11: memref<80x64xf32, #tpu.memory_space<vmem>>, %arg12: memref<80x64xf32, #tpu.memory_space<vmem>>, %arg13: memref<80x64xf32, #tpu.memory_space<vmem>>, %arg14: memref<80x64xf32, #tpu.memory_space<vmem>>, %arg15: memref<10240xf32, #tpu.memory_space<vmem>>, %arg16: memref<10240x64xf32, #tpu.memory_space<vmem_shared>>, %arg17: memref<!tpu.dma_semaphore, #tpu.memory_space<semaphore_mem>>) attributes {dimension_semantics = [#tpu.dimension_semantics<core_parallel>, #tpu.dimension_semantics<subcore_parallel>], iteration_bounds = array<i64: 2, 16>, scalar_prefetch = 0 : i64, scratch_operands = 10 : i64, tpu.core_type = #tpu.core_type<sc_vector_subcore>, window_params = [{transform_indices = #map}, {transform_indices = #map1}, {transform_indices = #map2}, {transform_indices = #map3}, {transform_indices = #map}, {transform_indices = #map2}]} {
    %mul3A = arith.constant 2 : i32
    %mul3A_0 = arith.muli %arg1, %mul3A : i32
    %add3A = arith.addi %mul3A_0, %arg0 : i32
    %mul3A_1 = arith.constant 640 : i32
    %mul3A_2 = arith.muli %arg1, %mul3A_1 : i32
    "tpu.region"() ({
      %run_scoped3A_65 = tpu.sem_alloc : memref<!tpu.dma_semaphore, #tpu.memory_space<semaphore_mem>>
      %dma_start3A_66 = arith.constant 0 : i32
      %dma_start3A_67 = tpu.memref_slice %arg16[%mul3A_2, %dma_start3A_66] : memref<10240x64xf32, #tpu.memory_space<vmem_shared>> -> memref<640x64xf32, #tpu.memory_space<vmem_shared>>
      tpu.enqueue_dma source(%arg4 : memref<640x64xf32, #tpu.memory_space<hbm>>) target(%dma_start3A_67 : memref<640x64xf32, #tpu.memory_space<vmem_shared>>) target_semaphore(%run_scoped3A_65 : memref<!tpu.dma_semaphore, #tpu.memory_space<semaphore_mem>>)
      %dma_wait3A = arith.constant 0 : i32
      %dma_wait3A_68 = tpu.memref_slice %arg16[%mul3A_2, %dma_wait3A] : memref<10240x64xf32, #tpu.memory_space<vmem_shared>> -> memref<640x64xf32, #tpu.memory_space<vmem_shared>>
      tpu.wait_dma2 semaphore(%run_scoped3A_65 : memref<!tpu.dma_semaphore, #tpu.memory_space<semaphore_mem>>) src(%arg4 : memref<640x64xf32, #tpu.memory_space<hbm>>) dst(%dma_wait3A_68 : memref<640x64xf32, #tpu.memory_space<vmem_shared>>)
      tpu.yield
    }) : () -> ()
    "tpu.region"() ({
      %run_scoped3A_65 = tpu.sem_alloc : memref<!tpu.dma_semaphore, #tpu.memory_space<semaphore_mem>>
      tpu.enqueue_dma source(%arg5 : memref<10240xf32, #tpu.memory_space<hbm>>) target(%arg15 : memref<10240xf32, #tpu.memory_space<vmem>>) target_semaphore(%run_scoped3A_65 : memref<!tpu.dma_semaphore, #tpu.memory_space<semaphore_mem>>)
      tpu.wait_dma2 semaphore(%run_scoped3A_65 : memref<!tpu.dma_semaphore, #tpu.memory_space<semaphore_mem>>) src(%arg5 : memref<10240xf32, #tpu.memory_space<hbm>>) dst(%arg15 : memref<10240xf32, #tpu.memory_space<vmem>>)
      tpu.yield
    }) : () -> ()
    %run_scoped3A = arith.constant 0 : i32
    "tpu.region"() ({
      %run_scoped3A_65 = tpu.sem_alloc : memref<!tpu.dma_semaphore, #tpu.memory_space<semaphore_mem>>
      %dma_start3A_66 = arith.constant 0 : i32
      %dma_start3A_67 = arith.constant 0 : i32
      %dma_start3A_68 = tpu.memref_slice %arg3[%run_scoped3A, %arg1, %dma_start3A_66, %dma_start3A_67] : memref<2x16x250x80xi32, #tpu.memory_space<hbm>> -> memref<1x1x250x80xi32, #tpu.memory_space<hbm>>
      %dma_start3A_69 = tpu.memref_squeeze %dma_start3A_68 : memref<1x1x250x80xi32, #tpu.memory_space<hbm>> -> memref<250x80xi32, #tpu.memory_space<hbm>>
      %dma_start3A_70 = arith.constant 0 : i32
      %dma_start3A_71 = arith.constant 0 : i32
      %dma_start3A_72 = tpu.memref_slice %arg3[%run_scoped3A, %arg1, %dma_start3A_70, %dma_start3A_71] : memref<2x16x250x80xi32, #tpu.memory_space<hbm>> -> memref<1x1x250x80xi32, #tpu.memory_space<hbm>>
      %dma_start3A_73 = tpu.memref_squeeze %dma_start3A_72 : memref<1x1x250x80xi32, #tpu.memory_space<hbm>> -> memref<250x80xi32, #tpu.memory_space<hbm>>
      tpu.enqueue_dma source(%dma_start3A_73 : memref<250x80xi32, #tpu.memory_space<hbm>>) target(%arg8 : memref<250x80xi32, #tpu.memory_space<vmem>>) target_semaphore(%run_scoped3A_65 : memref<!tpu.dma_semaphore, #tpu.memory_space<semaphore_mem>>)
      %dma_wait3A = arith.constant 0 : i32
      %dma_wait3A_74 = arith.constant 0 : i32
      %dma_wait3A_75 = tpu.memref_slice %arg3[%run_scoped3A, %arg1, %dma_wait3A, %dma_wait3A_74] : memref<2x16x250x80xi32, #tpu.memory_space<hbm>> -> memref<1x1x250x80xi32, #tpu.memory_space<hbm>>
      %dma_wait3A_76 = tpu.memref_squeeze %dma_wait3A_75 : memref<1x1x250x80xi32, #tpu.memory_space<hbm>> -> memref<250x80xi32, #tpu.memory_space<hbm>>
      %dma_wait3A_77 = arith.constant 0 : i32
      %dma_wait3A_78 = arith.constant 0 : i32
      %dma_wait3A_79 = tpu.memref_slice %arg3[%run_scoped3A, %arg1, %dma_wait3A_77, %dma_wait3A_78] : memref<2x16x250x80xi32, #tpu.memory_space<hbm>> -> memref<1x1x250x80xi32, #tpu.memory_space<hbm>>
      %dma_wait3A_80 = tpu.memref_squeeze %dma_wait3A_79 : memref<1x1x250x80xi32, #tpu.memory_space<hbm>> -> memref<250x80xi32, #tpu.memory_space<hbm>>
      tpu.wait_dma2 semaphore(%run_scoped3A_65 : memref<!tpu.dma_semaphore, #tpu.memory_space<semaphore_mem>>) src(%dma_wait3A_80 : memref<250x80xi32, #tpu.memory_space<hbm>>) dst(%arg8 : memref<250x80xi32, #tpu.memory_space<vmem>>)
      tpu.yield
    }) : () -> ()
    %run_scoped3A_3 = arith.constant 1 : i32
    "tpu.region"() ({
      %run_scoped3A_65 = tpu.sem_alloc : memref<!tpu.dma_semaphore, #tpu.memory_space<semaphore_mem>>
      %dma_start3A_66 = arith.constant 0 : i32
      %dma_start3A_67 = arith.constant 0 : i32
      %dma_start3A_68 = tpu.memref_slice %arg3[%run_scoped3A_3, %arg1, %dma_start3A_66, %dma_start3A_67] : memref<2x16x250x80xi32, #tpu.memory_space<hbm>> -> memref<1x1x250x80xi32, #tpu.memory_space<hbm>>
      %dma_start3A_69 = tpu.memref_squeeze %dma_start3A_68 : memref<1x1x250x80xi32, #tpu.memory_space<hbm>> -> memref<250x80xi32, #tpu.memory_space<hbm>>
      %dma_start3A_70 = arith.constant 0 : i32
      %dma_start3A_71 = arith.constant 0 : i32
      %dma_start3A_72 = tpu.memref_slice %arg3[%run_scoped3A_3, %arg1, %dma_start3A_70, %dma_start3A_71] : memref<2x16x250x80xi32, #tpu.memory_space<hbm>> -> memref<1x1x250x80xi32, #tpu.memory_space<hbm>>
      %dma_start3A_73 = tpu.memref_squeeze %dma_start3A_72 : memref<1x1x250x80xi32, #tpu.memory_space<hbm>> -> memref<250x80xi32, #tpu.memory_space<hbm>>
      tpu.enqueue_dma source(%dma_start3A_73 : memref<250x80xi32, #tpu.memory_space<hbm>>) target(%arg9 : memref<250x80xi32, #tpu.memory_space<vmem>>) target_semaphore(%run_scoped3A_65 : memref<!tpu.dma_semaphore, #tpu.memory_space<semaphore_mem>>)
      %dma_wait3A = arith.constant 0 : i32
      %dma_wait3A_74 = arith.constant 0 : i32
      %dma_wait3A_75 = tpu.memref_slice %arg3[%run_scoped3A_3, %arg1, %dma_wait3A, %dma_wait3A_74] : memref<2x16x250x80xi32, #tpu.memory_space<hbm>> -> memref<1x1x250x80xi32, #tpu.memory_space<hbm>>
      %dma_wait3A_76 = tpu.memref_squeeze %dma_wait3A_75 : memref<1x1x250x80xi32, #tpu.memory_space<hbm>> -> memref<250x80xi32, #tpu.memory_space<hbm>>
      %dma_wait3A_77 = arith.constant 0 : i32
      %dma_wait3A_78 = arith.constant 0 : i32
      %dma_wait3A_79 = tpu.memref_slice %arg3[%run_scoped3A_3, %arg1, %dma_wait3A_77, %dma_wait3A_78] : memref<2x16x250x80xi32, #tpu.memory_space<hbm>> -> memref<1x1x250x80xi32, #tpu.memory_space<hbm>>
      %dma_wait3A_80 = tpu.memref_squeeze %dma_wait3A_79 : memref<1x1x250x80xi32, #tpu.memory_space<hbm>> -> memref<250x80xi32, #tpu.memory_space<hbm>>
      tpu.wait_dma2 semaphore(%run_scoped3A_65 : memref<!tpu.dma_semaphore, #tpu.memory_space<semaphore_mem>>) src(%dma_wait3A_80 : memref<250x80xi32, #tpu.memory_space<hbm>>) dst(%arg9 : memref<250x80xi32, #tpu.memory_space<vmem>>)
      tpu.yield
    }) : () -> ()
    %barrier3A = arith.constant 0 : index
    tpu.barrier barrier_id(%barrier3A)
    %broadcast_in_dim3A = arith.constant 1.000000e+00 : f32
    %broadcast_in_dim3A_4 = vector.broadcast %broadcast_in_dim3A : f32 to vector<16xf32>
    %dma_start3A = arith.constant 0 : i32
    %dma_start3A_5 = arith.constant 0 : i32
    %dma_start3A_6 = tpu.memref_slice %arg8[%dma_start3A, %dma_start3A_5] : memref<250x80xi32, #tpu.memory_space<vmem>> -> memref<1x80xi32, #tpu.memory_space<vmem>>
    %dma_start3A_7 = tpu.memref_squeeze %dma_start3A_6 : memref<1x80xi32, #tpu.memory_space<vmem>> -> memref<80xi32, #tpu.memory_space<vmem>>
    %dma_start3A_8 = arith.constant 0 : i32
    %dma_start3A_9 = arith.constant 0 : i32
    %dma_start3A_10 = tpu.memref_slice %arg2[%arg0, %dma_start3A_8, %dma_start3A_9] : memref<2x10000x64xf32, #tpu.memory_space<hbm>> -> memref<1x10000x64xf32, #tpu.memory_space<hbm>>
    %dma_start3A_11 = tpu.memref_squeeze %dma_start3A_10 : memref<1x10000x64xf32, #tpu.memory_space<hbm>> -> memref<10000x64xf32, #tpu.memory_space<hbm>>
    %dma_start3A_12 = arith.constant 0 : i32
    %dma_start3A_13 = arith.constant 0 : i32
    %dma_start3A_14 = tpu.memref_slice %dma_start3A_11[%dma_start3A_12, %dma_start3A_13] : memref<10000x64xf32, #tpu.memory_space<hbm>> -> memref<10000x64xf32, #tpu.memory_space<hbm>>
    tpu.enqueue_indirect_dma source(%dma_start3A_14 : memref<10000x64xf32, #tpu.memory_space<hbm>>) target(%arg10 : memref<80x64xf32, #tpu.memory_space<vmem>>) offsets(%dma_start3A_7 : memref<80xi32, #tpu.memory_space<vmem>>) semaphore(%arg17 : memref<!tpu.dma_semaphore, #tpu.memory_space<semaphore_mem>>)
    %dma_start3A_15 = arith.constant 1 : i32
    %dma_start3A_16 = arith.constant 0 : i32
    %dma_start3A_17 = tpu.memref_slice %arg8[%dma_start3A_15, %dma_start3A_16] : memref<250x80xi32, #tpu.memory_space<vmem>> -> memref<1x80xi32, #tpu.memory_space<vmem>>
    %dma_start3A_18 = tpu.memref_squeeze %dma_start3A_17 : memref<1x80xi32, #tpu.memory_space<vmem>> -> memref<80xi32, #tpu.memory_space<vmem>>
    %dma_start3A_19 = arith.constant 0 : i32
    %dma_start3A_20 = arith.constant 0 : i32
    %dma_start3A_21 = tpu.memref_slice %arg2[%arg0, %dma_start3A_19, %dma_start3A_20] : memref<2x10000x64xf32, #tpu.memory_space<hbm>> -> memref<1x10000x64xf32, #tpu.memory_space<hbm>>
    %dma_start3A_22 = tpu.memref_squeeze %dma_start3A_21 : memref<1x10000x64xf32, #tpu.memory_space<hbm>> -> memref<10000x64xf32, #tpu.memory_space<hbm>>
    %dma_start3A_23 = arith.constant 0 : i32
    %dma_start3A_24 = arith.constant 0 : i32
    %dma_start3A_25 = tpu.memref_slice %dma_start3A_22[%dma_start3A_23, %dma_start3A_24] : memref<10000x64xf32, #tpu.memory_space<hbm>> -> memref<10000x64xf32, #tpu.memory_space<hbm>>
    tpu.enqueue_indirect_dma source(%dma_start3A_25 : memref<10000x64xf32, #tpu.memory_space<hbm>>) target(%arg11 : memref<80x64xf32, #tpu.memory_space<vmem>>) offsets(%dma_start3A_18 : memref<80xi32, #tpu.memory_space<vmem>>) semaphore(%arg17 : memref<!tpu.dma_semaphore, #tpu.memory_space<semaphore_mem>>)
    %dma_start3A_26 = arith.constant 2 : i32
    %dma_start3A_27 = arith.constant 0 : i32
    %dma_start3A_28 = tpu.memref_slice %arg8[%dma_start3A_26, %dma_start3A_27] : memref<250x80xi32, #tpu.memory_space<vmem>> -> memref<1x80xi32, #tpu.memory_space<vmem>>
    %dma_start3A_29 = tpu.memref_squeeze %dma_start3A_28 : memref<1x80xi32, #tpu.memory_space<vmem>> -> memref<80xi32, #tpu.memory_space<vmem>>
    %dma_start3A_30 = arith.constant 0 : i32
    %dma_start3A_31 = arith.constant 0 : i32
    %dma_start3A_32 = tpu.memref_slice %arg2[%arg0, %dma_start3A_30, %dma_start3A_31] : memref<2x10000x64xf32, #tpu.memory_space<hbm>> -> memref<1x10000x64xf32, #tpu.memory_space<hbm>>
    %dma_start3A_33 = tpu.memref_squeeze %dma_start3A_32 : memref<1x10000x64xf32, #tpu.memory_space<hbm>> -> memref<10000x64xf32, #tpu.memory_space<hbm>>
    %dma_start3A_34 = arith.constant 0 : i32
    %dma_start3A_35 = arith.constant 0 : i32
    %dma_start3A_36 = tpu.memref_slice %dma_start3A_33[%dma_start3A_34, %dma_start3A_35] : memref<10000x64xf32, #tpu.memory_space<hbm>> -> memref<10000x64xf32, #tpu.memory_space<hbm>>
    tpu.enqueue_indirect_dma source(%dma_start3A_36 : memref<10000x64xf32, #tpu.memory_space<hbm>>) target(%arg12 : memref<80x64xf32, #tpu.memory_space<vmem>>) offsets(%dma_start3A_29 : memref<80xi32, #tpu.memory_space<vmem>>) semaphore(%arg17 : memref<!tpu.dma_semaphore, #tpu.memory_space<semaphore_mem>>)
    %dma_start3A_37 = arith.constant 3 : i32
    %dma_start3A_38 = arith.constant 0 : i32
    %dma_start3A_39 = tpu.memref_slice %arg8[%dma_start3A_37, %dma_start3A_38] : memref<250x80xi32, #tpu.memory_space<vmem>> -> memref<1x80xi32, #tpu.memory_space<vmem>>
    %dma_start3A_40 = tpu.memref_squeeze %dma_start3A_39 : memref<1x80xi32, #tpu.memory_space<vmem>> -> memref<80xi32, #tpu.memory_space<vmem>>
    %dma_start3A_41 = arith.constant 0 : i32
    %dma_start3A_42 = arith.constant 0 : i32
    %dma_start3A_43 = tpu.memref_slice %arg2[%arg0, %dma_start3A_41, %dma_start3A_42] : memref<2x10000x64xf32, #tpu.memory_space<hbm>> -> memref<1x10000x64xf32, #tpu.memory_space<hbm>>
    %dma_start3A_44 = tpu.memref_squeeze %dma_start3A_43 : memref<1x10000x64xf32, #tpu.memory_space<hbm>> -> memref<10000x64xf32, #tpu.memory_space<hbm>>
    %dma_start3A_45 = arith.constant 0 : i32
    %dma_start3A_46 = arith.constant 0 : i32
    %dma_start3A_47 = tpu.memref_slice %dma_start3A_44[%dma_start3A_45, %dma_start3A_46] : memref<10000x64xf32, #tpu.memory_space<hbm>> -> memref<10000x64xf32, #tpu.memory_space<hbm>>
    tpu.enqueue_indirect_dma source(%dma_start3A_47 : memref<10000x64xf32, #tpu.memory_space<hbm>>) target(%arg13 : memref<80x64xf32, #tpu.memory_space<vmem>>) offsets(%dma_start3A_40 : memref<80xi32, #tpu.memory_space<vmem>>) semaphore(%arg17 : memref<!tpu.dma_semaphore, #tpu.memory_space<semaphore_mem>>)
    %dma_start3A_48 = arith.constant 4 : i32
    %dma_start3A_49 = arith.constant 0 : i32
    %dma_start3A_50 = tpu.memref_slice %arg8[%dma_start3A_48, %dma_start3A_49] : memref<250x80xi32, #tpu.memory_space<vmem>> -> memref<1x80xi32, #tpu.memory_space<vmem>>
    %dma_start3A_51 = tpu.memref_squeeze %dma_start3A_50 : memref<1x80xi32, #tpu.memory_space<vmem>> -> memref<80xi32, #tpu.memory_space<vmem>>
    %dma_start3A_52 = arith.constant 0 : i32
    %dma_start3A_53 = arith.constant 0 : i32
    %dma_start3A_54 = tpu.memref_slice %arg2[%arg0, %dma_start3A_52, %dma_start3A_53] : memref<2x10000x64xf32, #tpu.memory_space<hbm>> -> memref<1x10000x64xf32, #tpu.memory_space<hbm>>
    %dma_start3A_55 = tpu.memref_squeeze %dma_start3A_54 : memref<1x10000x64xf32, #tpu.memory_space<hbm>> -> memref<10000x64xf32, #tpu.memory_space<hbm>>
    %dma_start3A_56 = arith.constant 0 : i32
    %dma_start3A_57 = arith.constant 0 : i32
    %dma_start3A_58 = tpu.memref_slice %dma_start3A_55[%dma_start3A_56, %dma_start3A_57] : memref<10000x64xf32, #tpu.memory_space<hbm>> -> memref<10000x64xf32, #tpu.memory_space<hbm>>
    tpu.enqueue_indirect_dma source(%dma_start3A_58 : memref<10000x64xf32, #tpu.memory_space<hbm>>) target(%arg14 : memref<80x64xf32, #tpu.memory_space<vmem>>) offsets(%dma_start3A_51 : memref<80xi32, #tpu.memory_space<vmem>>) semaphore(%arg17 : memref<!tpu.dma_semaphore, #tpu.memory_space<semaphore_mem>>)
    %scan3A = arith.constant 0 : i32
    %scan3A_59 = arith.constant 0 : i32
    %scan3A_60 = arith.constant 50 : i32
    %scan3A_61 = arith.addi %scan3A_59, %scan3A_60 : i32
    %scan3A_62 = arith.constant 1 : i32
    scf.for %scan3A_65 = %scan3A_59 to %scan3A_61 step %scan3A_62  : i32 {
      %mul3A_66 = arith.constant 5 : i32
      %mul3A_67 = arith.muli %scan3A_65, %mul3A_66 : i32
      %add3A_68 = arith.constant 0 : i32
      %add3A_69 = arith.addi %mul3A_67, %add3A_68 : i32
      %dma_wait3A = arith.constant 0 : i32
      %dma_wait3A_70 = tpu.memref_slice %arg8[%add3A_69, %dma_wait3A] : memref<250x80xi32, #tpu.memory_space<vmem>> -> memref<1x80xi32, #tpu.memory_space<vmem>>
      %dma_wait3A_71 = tpu.memref_squeeze %dma_wait3A_70 : memref<1x80xi32, #tpu.memory_space<vmem>> -> memref<80xi32, #tpu.memory_space<vmem>>
      %dma_wait3A_72 = arith.constant 0 : i32
      %dma_wait3A_73 = arith.constant 0 : i32
      %dma_wait3A_74 = tpu.memref_slice %arg2[%arg0, %dma_wait3A_72, %dma_wait3A_73] : memref<2x10000x64xf32, #tpu.memory_space<hbm>> -> memref<1x10000x64xf32, #tpu.memory_space<hbm>>
      %dma_wait3A_75 = tpu.memref_squeeze %dma_wait3A_74 : memref<1x10000x64xf32, #tpu.memory_space<hbm>> -> memref<10000x64xf32, #tpu.memory_space<hbm>>
      %dma_wait3A_76 = arith.constant 0 : i32
      %dma_wait3A_77 = arith.constant 0 : i32
      %dma_wait3A_78 = tpu.memref_slice %dma_wait3A_75[%dma_wait3A_76, %dma_wait3A_77] : memref<10000x64xf32, #tpu.memory_space<hbm>> -> memref<10000x64xf32, #tpu.memory_space<hbm>>
      tpu.wait_indirect_dma semaphore(%arg17 : memref<!tpu.dma_semaphore, #tpu.memory_space<semaphore_mem>>) src(%dma_wait3A_78 : memref<10000x64xf32, #tpu.memory_space<hbm>>) dst(%arg10 : memref<80x64xf32, #tpu.memory_space<vmem>>)
      "tpu.region"() ({
        %run_scoped3A_241 = tpu.sem_alloc : memref<!tpu.dma_semaphore, #tpu.memory_space<semaphore_mem>>
        %dma_start3A_242 = arith.constant 0 : i32
        %dma_start3A_243 = tpu.memref_slice %arg9[%add3A_69, %dma_start3A_242] : memref<250x80xi32, #tpu.memory_space<vmem>> -> memref<1x80xi32, #tpu.memory_space<vmem>>
        %dma_start3A_244 = tpu.memref_squeeze %dma_start3A_243 : memref<1x80xi32, #tpu.memory_space<vmem>> -> memref<80xi32, #tpu.memory_space<vmem>>
        %dma_start3A_245 = arith.constant 0 : i32
        %dma_start3A_246 = arith.constant 0 : i32
        %dma_start3A_247 = tpu.memref_slice %arg16[%dma_start3A_245, %dma_start3A_246] : memref<10240x64xf32, #tpu.memory_space<vmem_shared>> -> memref<10240x64xf32, #tpu.memory_space<vmem_shared>>
        tpu.enqueue_indirect_dma source(%arg10 : memref<80x64xf32, #tpu.memory_space<vmem>>) target(%dma_start3A_247 : memref<10240x64xf32, #tpu.memory_space<vmem_shared>>) offsets(%dma_start3A_244 : memref<80xi32, #tpu.memory_space<vmem>>) semaphore(%run_scoped3A_241 : memref<!tpu.dma_semaphore, #tpu.memory_space<semaphore_mem>>) {add = true}
        %dma_wait3A_248 = arith.constant 0 : i32
        %dma_wait3A_249 = tpu.memref_slice %arg9[%add3A_69, %dma_wait3A_248] : memref<250x80xi32, #tpu.memory_space<vmem>> -> memref<1x80xi32, #tpu.memory_space<vmem>>
        %dma_wait3A_250 = tpu.memref_squeeze %dma_wait3A_249 : memref<1x80xi32, #tpu.memory_space<vmem>> -> memref<80xi32, #tpu.memory_space<vmem>>
        %dma_wait3A_251 = arith.constant 0 : i32
        %dma_wait3A_252 = arith.constant 0 : i32
        %dma_wait3A_253 = tpu.memref_slice %arg16[%dma_wait3A_251, %dma_wait3A_252] : memref<10240x64xf32, #tpu.memory_space<vmem_shared>> -> memref<10240x64xf32, #tpu.memory_space<vmem_shared>>
        tpu.wait_indirect_dma semaphore(%run_scoped3A_241 : memref<!tpu.dma_semaphore, #tpu.memory_space<semaphore_mem>>) src(%arg10 : memref<80x64xf32, #tpu.memory_space<vmem>>) dst(%dma_wait3A_253 : memref<10240x64xf32, #tpu.memory_space<vmem_shared>>)
        tpu.yield
      }) : () -> ()
      %add3A_79 = arith.constant 5 : i32
      %add3A_80 = arith.addi %add3A_69, %add3A_79 : i32
      %lt3A = arith.constant 250 : i32
      %lt3A_81 = arith.cmpi slt, %add3A_80, %lt3A : i32
      %convert_element_type3A = arith.extui %lt3A_81 : i1 to i32
      %cond3A = arith.constant 0 : i32
      %cond3A_82 = arith.cmpi ne, %convert_element_type3A, %cond3A : i32
      scf.if %cond3A_82 {
        %add3A_241 = arith.constant 5 : i32
        %add3A_242 = arith.addi %add3A_69, %add3A_241 : i32
        %dma_start3A_243 = arith.constant 0 : i32
        %dma_start3A_244 = tpu.memref_slice %arg8[%add3A_242, %dma_start3A_243] : memref<250x80xi32, #tpu.memory_space<vmem>> -> memref<1x80xi32, #tpu.memory_space<vmem>>
        %dma_start3A_245 = tpu.memref_squeeze %dma_start3A_244 : memref<1x80xi32, #tpu.memory_space<vmem>> -> memref<80xi32, #tpu.memory_space<vmem>>
        %dma_start3A_246 = arith.constant 0 : i32
        %dma_start3A_247 = arith.constant 0 : i32
        %dma_start3A_248 = tpu.memref_slice %arg2[%arg0, %dma_start3A_246, %dma_start3A_247] : memref<2x10000x64xf32, #tpu.memory_space<hbm>> -> memref<1x10000x64xf32, #tpu.memory_space<hbm>>
        %dma_start3A_249 = tpu.memref_squeeze %dma_start3A_248 : memref<1x10000x64xf32, #tpu.memory_space<hbm>> -> memref<10000x64xf32, #tpu.memory_space<hbm>>
        %dma_start3A_250 = arith.constant 0 : i32
        %dma_start3A_251 = arith.constant 0 : i32
        %dma_start3A_252 = tpu.memref_slice %dma_start3A_249[%dma_start3A_250, %dma_start3A_251] : memref<10000x64xf32, #tpu.memory_space<hbm>> -> memref<10000x64xf32, #tpu.memory_space<hbm>>
        tpu.enqueue_indirect_dma source(%dma_start3A_252 : memref<10000x64xf32, #tpu.memory_space<hbm>>) target(%arg10 : memref<80x64xf32, #tpu.memory_space<vmem>>) offsets(%dma_start3A_245 : memref<80xi32, #tpu.memory_space<vmem>>) semaphore(%arg17 : memref<!tpu.dma_semaphore, #tpu.memory_space<semaphore_mem>>)
      } else {
      }
      %get3A = arith.index_cast %add3A_69 : i32 to index
      %get3A_83 = arith.constant 0 : index
      %get3A_84 = tpu.vector_load %arg9[%get3A, %get3A_83] {strides = array<i32>} : memref<250x80xi32, #tpu.memory_space<vmem>>, vector<16xi32>,
      tpu.vector_store_idx %arg15[%get3A_84], %broadcast_in_dim3A_4 {add = true} : memref<10240xf32, #tpu.memory_space<vmem>>[vector<16xi32>], vector<16xf32>,
      %get3A_85 = arith.index_cast %add3A_69 : i32 to index
      %get3A_86 = arith.constant 16 : index
      %get3A_87 = tpu.vector_load %arg9[%get3A_85, %get3A_86] {strides = array<i32>} : memref<250x80xi32, #tpu.memory_space<vmem>>, vector<16xi32>,
      tpu.vector_store_idx %arg15[%get3A_87], %broadcast_in_dim3A_4 {add = true} : memref<10240xf32, #tpu.memory_space<vmem>>[vector<16xi32>], vector<16xf32>,
      %get3A_88 = arith.index_cast %add3A_69 : i32 to index
      %get3A_89 = arith.constant 32 : index
      %get3A_90 = tpu.vector_load %arg9[%get3A_88, %get3A_89] {strides = array<i32>} : memref<250x80xi32, #tpu.memory_space<vmem>>, vector<16xi32>,
      tpu.vector_store_idx %arg15[%get3A_90], %broadcast_in_dim3A_4 {add = true} : memref<10240xf32, #tpu.memory_space<vmem>>[vector<16xi32>], vector<16xf32>,
      %get3A_91 = arith.index_cast %add3A_69 : i32 to index
      %get3A_92 = arith.constant 48 : index
      %get3A_93 = tpu.vector_load %arg9[%get3A_91, %get3A_92] {strides = array<i32>} : memref<250x80xi32, #tpu.memory_space<vmem>>, vector<16xi32>,
      tpu.vector_store_idx %arg15[%get3A_93], %broadcast_in_dim3A_4 {add = true} : memref<10240xf32, #tpu.memory_space<vmem>>[vector<16xi32>], vector<16xf32>,
      %get3A_94 = arith.index_cast %add3A_69 : i32 to index
      %get3A_95 = arith.constant 64 : index
      %get3A_96 = tpu.vector_load %arg9[%get3A_94, %get3A_95] {strides = array<i32>} : memref<250x80xi32, #tpu.memory_space<vmem>>, vector<16xi32>,
      tpu.vector_store_idx %arg15[%get3A_96], %broadcast_in_dim3A_4 {add = true} : memref<10240xf32, #tpu.memory_space<vmem>>[vector<16xi32>], vector<16xf32>,
      %mul3A_97 = arith.constant 5 : i32
      %mul3A_98 = arith.muli %scan3A_65, %mul3A_97 : i32
      %add3A_99 = arith.constant 1 : i32
      %add3A_100 = arith.addi %mul3A_98, %add3A_99 : i32
      %dma_wait3A_101 = arith.constant 0 : i32
      %dma_wait3A_102 = tpu.memref_slice %arg8[%add3A_100, %dma_wait3A_101] : memref<250x80xi32, #tpu.memory_space<vmem>> -> memref<1x80xi32, #tpu.memory_space<vmem>>
      %dma_wait3A_103 = tpu.memref_squeeze %dma_wait3A_102 : memref<1x80xi32, #tpu.memory_space<vmem>> -> memref<80xi32, #tpu.memory_space<vmem>>
      %dma_wait3A_104 = arith.constant 0 : i32
      %dma_wait3A_105 = arith.constant 0 : i32
      %dma_wait3A_106 = tpu.memref_slice %arg2[%arg0, %dma_wait3A_104, %dma_wait3A_105] : memref<2x10000x64xf32, #tpu.memory_space<hbm>> -> memref<1x10000x64xf32, #tpu.memory_space<hbm>>
      %dma_wait3A_107 = tpu.memref_squeeze %dma_wait3A_106 : memref<1x10000x64xf32, #tpu.memory_space<hbm>> -> memref<10000x64xf32, #tpu.memory_space<hbm>>
      %dma_wait3A_108 = arith.constant 0 : i32
      %dma_wait3A_109 = arith.constant 0 : i32
      %dma_wait3A_110 = tpu.memref_slice %dma_wait3A_107[%dma_wait3A_108, %dma_wait3A_109] : memref<10000x64xf32, #tpu.memory_space<hbm>> -> memref<10000x64xf32, #tpu.memory_space<hbm>>
      tpu.wait_indirect_dma semaphore(%arg17 : memref<!tpu.dma_semaphore, #tpu.memory_space<semaphore_mem>>) src(%dma_wait3A_110 : memref<10000x64xf32, #tpu.memory_space<hbm>>) dst(%arg11 : memref<80x64xf32, #tpu.memory_space<vmem>>)
      "tpu.region"() ({
        %run_scoped3A_241 = tpu.sem_alloc : memref<!tpu.dma_semaphore, #tpu.memory_space<semaphore_mem>>
        %dma_start3A_242 = arith.constant 0 : i32
        %dma_start3A_243 = tpu.memref_slice %arg9[%add3A_100, %dma_start3A_242] : memref<250x80xi32, #tpu.memory_space<vmem>> -> memref<1x80xi32, #tpu.memory_space<vmem>>
        %dma_start3A_244 = tpu.memref_squeeze %dma_start3A_243 : memref<1x80xi32, #tpu.memory_space<vmem>> -> memref<80xi32, #tpu.memory_space<vmem>>
        %dma_start3A_245 = arith.constant 0 : i32
        %dma_start3A_246 = arith.constant 0 : i32
        %dma_start3A_247 = tpu.memref_slice %arg16[%dma_start3A_245, %dma_start3A_246] : memref<10240x64xf32, #tpu.memory_space<vmem_shared>> -> memref<10240x64xf32, #tpu.memory_space<vmem_shared>>
        tpu.enqueue_indirect_dma source(%arg11 : memref<80x64xf32, #tpu.memory_space<vmem>>) target(%dma_start3A_247 : memref<10240x64xf32, #tpu.memory_space<vmem_shared>>) offsets(%dma_start3A_244 : memref<80xi32, #tpu.memory_space<vmem>>) semaphore(%run_scoped3A_241 : memref<!tpu.dma_semaphore, #tpu.memory_space<semaphore_mem>>) {add = true}
        %dma_wait3A_248 = arith.constant 0 : i32
        %dma_wait3A_249 = tpu.memref_slice %arg9[%add3A_100, %dma_wait3A_248] : memref<250x80xi32, #tpu.memory_space<vmem>> -> memref<1x80xi32, #tpu.memory_space<vmem>>
        %dma_wait3A_250 = tpu.memref_squeeze %dma_wait3A_249 : memref<1x80xi32, #tpu.memory_space<vmem>> -> memref<80xi32, #tpu.memory_space<vmem>>
        %dma_wait3A_251 = arith.constant 0 : i32
        %dma_wait3A_252 = arith.constant 0 : i32
        %dma_wait3A_253 = tpu.memref_slice %arg16[%dma_wait3A_251, %dma_wait3A_252] : memref<10240x64xf32, #tpu.memory_space<vmem_shared>> -> memref<10240x64xf32, #tpu.memory_space<vmem_shared>>
        tpu.wait_indirect_dma semaphore(%run_scoped3A_241 : memref<!tpu.dma_semaphore, #tpu.memory_space<semaphore_mem>>) src(%arg11 : memref<80x64xf32, #tpu.memory_space<vmem>>) dst(%dma_wait3A_253 : memref<10240x64xf32, #tpu.memory_space<vmem_shared>>)
        tpu.yield
      }) : () -> ()
      %add3A_111 = arith.constant 5 : i32
      %add3A_112 = arith.addi %add3A_100, %add3A_111 : i32
      %lt3A_113 = arith.constant 250 : i32
      %lt3A_114 = arith.cmpi slt, %add3A_112, %lt3A_113 : i32
      %convert_element_type3A_115 = arith.extui %lt3A_114 : i1 to i32
      %cond3A_116 = arith.constant 0 : i32
      %cond3A_117 = arith.cmpi ne, %convert_element_type3A_115, %cond3A_116 : i32
      scf.if %cond3A_117 {
        %add3A_241 = arith.constant 5 : i32
        %add3A_242 = arith.addi %add3A_100, %add3A_241 : i32
        %dma_start3A_243 = arith.constant 0 : i32
        %dma_start3A_244 = tpu.memref_slice %arg8[%add3A_242, %dma_start3A_243] : memref<250x80xi32, #tpu.memory_space<vmem>> -> memref<1x80xi32, #tpu.memory_space<vmem>>
        %dma_start3A_245 = tpu.memref_squeeze %dma_start3A_244 : memref<1x80xi32, #tpu.memory_space<vmem>> -> memref<80xi32, #tpu.memory_space<vmem>>
        %dma_start3A_246 = arith.constant 0 : i32
        %dma_start3A_247 = arith.constant 0 : i32
        %dma_start3A_248 = tpu.memref_slice %arg2[%arg0, %dma_start3A_246, %dma_start3A_247] : memref<2x10000x64xf32, #tpu.memory_space<hbm>> -> memref<1x10000x64xf32, #tpu.memory_space<hbm>>
        %dma_start3A_249 = tpu.memref_squeeze %dma_start3A_248 : memref<1x10000x64xf32, #tpu.memory_space<hbm>> -> memref<10000x64xf32, #tpu.memory_space<hbm>>
        %dma_start3A_250 = arith.constant 0 : i32
        %dma_start3A_251 = arith.constant 0 : i32
        %dma_start3A_252 = tpu.memref_slice %dma_start3A_249[%dma_start3A_250, %dma_start3A_251] : memref<10000x64xf32, #tpu.memory_space<hbm>> -> memref<10000x64xf32, #tpu.memory_space<hbm>>
        tpu.enqueue_indirect_dma source(%dma_start3A_252 : memref<10000x64xf32, #tpu.memory_space<hbm>>) target(%arg11 : memref<80x64xf32, #tpu.memory_space<vmem>>) offsets(%dma_start3A_245 : memref<80xi32, #tpu.memory_space<vmem>>) semaphore(%arg17 : memref<!tpu.dma_semaphore, #tpu.memory_space<semaphore_mem>>)
      } else {
      }
      %get3A_118 = arith.index_cast %add3A_100 : i32 to index
      %get3A_119 = arith.constant 0 : index
      %get3A_120 = tpu.vector_load %arg9[%get3A_118, %get3A_119] {strides = array<i32>} : memref<250x80xi32, #tpu.memory_space<vmem>>, vector<16xi32>,
      tpu.vector_store_idx %arg15[%get3A_120], %broadcast_in_dim3A_4 {add = true} : memref<10240xf32, #tpu.memory_space<vmem>>[vector<16xi32>], vector<16xf32>,
      %get3A_121 = arith.index_cast %add3A_100 : i32 to index
      %get3A_122 = arith.constant 16 : index
      %get3A_123 = tpu.vector_load %arg9[%get3A_121, %get3A_122] {strides = array<i32>} : memref<250x80xi32, #tpu.memory_space<vmem>>, vector<16xi32>,
      tpu.vector_store_idx %arg15[%get3A_123], %broadcast_in_dim3A_4 {add = true} : memref<10240xf32, #tpu.memory_space<vmem>>[vector<16xi32>], vector<16xf32>,
      %get3A_124 = arith.index_cast %add3A_100 : i32 to index
      %get3A_125 = arith.constant 32 : index
      %get3A_126 = tpu.vector_load %arg9[%get3A_124, %get3A_125] {strides = array<i32>} : memref<250x80xi32, #tpu.memory_space<vmem>>, vector<16xi32>,
      tpu.vector_store_idx %arg15[%get3A_126], %broadcast_in_dim3A_4 {add = true} : memref<10240xf32, #tpu.memory_space<vmem>>[vector<16xi32>], vector<16xf32>,
      %get3A_127 = arith.index_cast %add3A_100 : i32 to index
      %get3A_128 = arith.constant 48 : index
      %get3A_129 = tpu.vector_load %arg9[%get3A_127, %get3A_128] {strides = array<i32>} : memref<250x80xi32, #tpu.memory_space<vmem>>, vector<16xi32>,
      tpu.vector_store_idx %arg15[%get3A_129], %broadcast_in_dim3A_4 {add = true} : memref<10240xf32, #tpu.memory_space<vmem>>[vector<16xi32>], vector<16xf32>,
      %get3A_130 = arith.index_cast %add3A_100 : i32 to index
      %get3A_131 = arith.constant 64 : index
      %get3A_132 = tpu.vector_load %arg9[%get3A_130, %get3A_131] {strides = array<i32>} : memref<250x80xi32, #tpu.memory_space<vmem>>, vector<16xi32>,
      tpu.vector_store_idx %arg15[%get3A_132], %broadcast_in_dim3A_4 {add = true} : memref<10240xf32, #tpu.memory_space<vmem>>[vector<16xi32>], vector<16xf32>,
      %mul3A_133 = arith.constant 5 : i32
      %mul3A_134 = arith.muli %scan3A_65, %mul3A_133 : i32
      %add3A_135 = arith.constant 2 : i32
      %add3A_136 = arith.addi %mul3A_134, %add3A_135 : i32
      %dma_wait3A_137 = arith.constant 0 : i32
      %dma_wait3A_138 = tpu.memref_slice %arg8[%add3A_136, %dma_wait3A_137] : memref<250x80xi32, #tpu.memory_space<vmem>> -> memref<1x80xi32, #tpu.memory_space<vmem>>
      %dma_wait3A_139 = tpu.memref_squeeze %dma_wait3A_138 : memref<1x80xi32, #tpu.memory_space<vmem>> -> memref<80xi32, #tpu.memory_space<vmem>>
      %dma_wait3A_140 = arith.constant 0 : i32
      %dma_wait3A_141 = arith.constant 0 : i32
      %dma_wait3A_142 = tpu.memref_slice %arg2[%arg0, %dma_wait3A_140, %dma_wait3A_141] : memref<2x10000x64xf32, #tpu.memory_space<hbm>> -> memref<1x10000x64xf32, #tpu.memory_space<hbm>>
      %dma_wait3A_143 = tpu.memref_squeeze %dma_wait3A_142 : memref<1x10000x64xf32, #tpu.memory_space<hbm>> -> memref<10000x64xf32, #tpu.memory_space<hbm>>
      %dma_wait3A_144 = arith.constant 0 : i32
      %dma_wait3A_145 = arith.constant 0 : i32
      %dma_wait3A_146 = tpu.memref_slice %dma_wait3A_143[%dma_wait3A_144, %dma_wait3A_145] : memref<10000x64xf32, #tpu.memory_space<hbm>> -> memref<10000x64xf32, #tpu.memory_space<hbm>>
      tpu.wait_indirect_dma semaphore(%arg17 : memref<!tpu.dma_semaphore, #tpu.memory_space<semaphore_mem>>) src(%dma_wait3A_146 : memref<10000x64xf32, #tpu.memory_space<hbm>>) dst(%arg12 : memref<80x64xf32, #tpu.memory_space<vmem>>)
      "tpu.region"() ({
        %run_scoped3A_241 = tpu.sem_alloc : memref<!tpu.dma_semaphore, #tpu.memory_space<semaphore_mem>>
        %dma_start3A_242 = arith.constant 0 : i32
        %dma_start3A_243 = tpu.memref_slice %arg9[%add3A_136, %dma_start3A_242] : memref<250x80xi32, #tpu.memory_space<vmem>> -> memref<1x80xi32, #tpu.memory_space<vmem>>
        %dma_start3A_244 = tpu.memref_squeeze %dma_start3A_243 : memref<1x80xi32, #tpu.memory_space<vmem>> -> memref<80xi32, #tpu.memory_space<vmem>>
        %dma_start3A_245 = arith.constant 0 : i32
        %dma_start3A_246 = arith.constant 0 : i32
        %dma_start3A_247 = tpu.memref_slice %arg16[%dma_start3A_245, %dma_start3A_246] : memref<10240x64xf32, #tpu.memory_space<vmem_shared>> -> memref<10240x64xf32, #tpu.memory_space<vmem_shared>>
        tpu.enqueue_indirect_dma source(%arg12 : memref<80x64xf32, #tpu.memory_space<vmem>>) target(%dma_start3A_247 : memref<10240x64xf32, #tpu.memory_space<vmem_shared>>) offsets(%dma_start3A_244 : memref<80xi32, #tpu.memory_space<vmem>>) semaphore(%run_scoped3A_241 : memref<!tpu.dma_semaphore, #tpu.memory_space<semaphore_mem>>) {add = true}
        %dma_wait3A_248 = arith.constant 0 : i32
        %dma_wait3A_249 = tpu.memref_slice %arg9[%add3A_136, %dma_wait3A_248] : memref<250x80xi32, #tpu.memory_space<vmem>> -> memref<1x80xi32, #tpu.memory_space<vmem>>
        %dma_wait3A_250 = tpu.memref_squeeze %dma_wait3A_249 : memref<1x80xi32, #tpu.memory_space<vmem>> -> memref<80xi32, #tpu.memory_space<vmem>>
        %dma_wait3A_251 = arith.constant 0 : i32
        %dma_wait3A_252 = arith.constant 0 : i32
        %dma_wait3A_253 = tpu.memref_slice %arg16[%dma_wait3A_251, %dma_wait3A_252] : memref<10240x64xf32, #tpu.memory_space<vmem_shared>> -> memref<10240x64xf32, #tpu.memory_space<vmem_shared>>
        tpu.wait_indirect_dma semaphore(%run_scoped3A_241 : memref<!tpu.dma_semaphore, #tpu.memory_space<semaphore_mem>>) src(%arg12 : memref<80x64xf32, #tpu.memory_space<vmem>>) dst(%dma_wait3A_253 : memref<10240x64xf32, #tpu.memory_space<vmem_shared>>)
        tpu.yield
      }) : () -> ()
      %add3A_147 = arith.constant 5 : i32
      %add3A_148 = arith.addi %add3A_136, %add3A_147 : i32
      %lt3A_149 = arith.constant 250 : i32
      %lt3A_150 = arith.cmpi slt, %add3A_148, %lt3A_149 : i32
      %convert_element_type3A_151 = arith.extui %lt3A_150 : i1 to i32
      %cond3A_152 = arith.constant 0 : i32
      %cond3A_153 = arith.cmpi ne, %convert_element_type3A_151, %cond3A_152 : i32
      scf.if %cond3A_153 {
        %add3A_241 = arith.constant 5 : i32
        %add3A_242 = arith.addi %add3A_136, %add3A_241 : i32
        %dma_start3A_243 = arith.constant 0 : i32
        %dma_start3A_244 = tpu.memref_slice %arg8[%add3A_242, %dma_start3A_243] : memref<250x80xi32, #tpu.memory_space<vmem>> -> memref<1x80xi32, #tpu.memory_space<vmem>>
        %dma_start3A_245 = tpu.memref_squeeze %dma_start3A_244 : memref<1x80xi32, #tpu.memory_space<vmem>> -> memref<80xi32, #tpu.memory_space<vmem>>
        %dma_start3A_246 = arith.constant 0 : i32
        %dma_start3A_247 = arith.constant 0 : i32
        %dma_start3A_248 = tpu.memref_slice %arg2[%arg0, %dma_start3A_246, %dma_start3A_247] : memref<2x10000x64xf32, #tpu.memory_space<hbm>> -> memref<1x10000x64xf32, #tpu.memory_space<hbm>>
        %dma_start3A_249 = tpu.memref_squeeze %dma_start3A_248 : memref<1x10000x64xf32, #tpu.memory_space<hbm>> -> memref<10000x64xf32, #tpu.memory_space<hbm>>
        %dma_start3A_250 = arith.constant 0 : i32
        %dma_start3A_251 = arith.constant 0 : i32
        %dma_start3A_252 = tpu.memref_slice %dma_start3A_249[%dma_start3A_250, %dma_start3A_251] : memref<10000x64xf32, #tpu.memory_space<hbm>> -> memref<10000x64xf32, #tpu.memory_space<hbm>>
        tpu.enqueue_indirect_dma source(%dma_start3A_252 : memref<10000x64xf32, #tpu.memory_space<hbm>>) target(%arg12 : memref<80x64xf32, #tpu.memory_space<vmem>>) offsets(%dma_start3A_245 : memref<80xi32, #tpu.memory_space<vmem>>) semaphore(%arg17 : memref<!tpu.dma_semaphore, #tpu.memory_space<semaphore_mem>>)
      } else {
      }
      %get3A_154 = arith.index_cast %add3A_136 : i32 to index
      %get3A_155 = arith.constant 0 : index
      %get3A_156 = tpu.vector_load %arg9[%get3A_154, %get3A_155] {strides = array<i32>} : memref<250x80xi32, #tpu.memory_space<vmem>>, vector<16xi32>,
      tpu.vector_store_idx %arg15[%get3A_156], %broadcast_in_dim3A_4 {add = true} : memref<10240xf32, #tpu.memory_space<vmem>>[vector<16xi32>], vector<16xf32>,
      %get3A_157 = arith.index_cast %add3A_136 : i32 to index
      %get3A_158 = arith.constant 16 : index
      %get3A_159 = tpu.vector_load %arg9[%get3A_157, %get3A_158] {strides = array<i32>} : memref<250x80xi32, #tpu.memory_space<vmem>>, vector<16xi32>,
      tpu.vector_store_idx %arg15[%get3A_159], %broadcast_in_dim3A_4 {add = true} : memref<10240xf32, #tpu.memory_space<vmem>>[vector<16xi32>], vector<16xf32>,
      %get3A_160 = arith.index_cast %add3A_136 : i32 to index
      %get3A_161 = arith.constant 32 : index
      %get3A_162 = tpu.vector_load %arg9[%get3A_160, %get3A_161] {strides = array<i32>} : memref<250x80xi32, #tpu.memory_space<vmem>>, vector<16xi32>,
      tpu.vector_store_idx %arg15[%get3A_162], %broadcast_in_dim3A_4 {add = true} : memref<10240xf32, #tpu.memory_space<vmem>>[vector<16xi32>], vector<16xf32>,
      %get3A_163 = arith.index_cast %add3A_136 : i32 to index
      %get3A_164 = arith.constant 48 : index
      %get3A_165 = tpu.vector_load %arg9[%get3A_163, %get3A_164] {strides = array<i32>} : memref<250x80xi32, #tpu.memory_space<vmem>>, vector<16xi32>,
      tpu.vector_store_idx %arg15[%get3A_165], %broadcast_in_dim3A_4 {add = true} : memref<10240xf32, #tpu.memory_space<vmem>>[vector<16xi32>], vector<16xf32>,
      %get3A_166 = arith.index_cast %add3A_136 : i32 to index
      %get3A_167 = arith.constant 64 : index
      %get3A_168 = tpu.vector_load %arg9[%get3A_166, %get3A_167] {strides = array<i32>} : memref<250x80xi32, #tpu.memory_space<vmem>>, vector<16xi32>,
      tpu.vector_store_idx %arg15[%get3A_168], %broadcast_in_dim3A_4 {add = true} : memref<10240xf32, #tpu.memory_space<vmem>>[vector<16xi32>], vector<16xf32>,
      %mul3A_169 = arith.constant 5 : i32
      %mul3A_170 = arith.muli %scan3A_65, %mul3A_169 : i32
      %add3A_171 = arith.constant 3 : i32
      %add3A_172 = arith.addi %mul3A_170, %add3A_171 : i32
      %dma_wait3A_173 = arith.constant 0 : i32
      %dma_wait3A_174 = tpu.memref_slice %arg8[%add3A_172, %dma_wait3A_173] : memref<250x80xi32, #tpu.memory_space<vmem>> -> memref<1x80xi32, #tpu.memory_space<vmem>>
      %dma_wait3A_175 = tpu.memref_squeeze %dma_wait3A_174 : memref<1x80xi32, #tpu.memory_space<vmem>> -> memref<80xi32, #tpu.memory_space<vmem>>
      %dma_wait3A_176 = arith.constant 0 : i32
      %dma_wait3A_177 = arith.constant 0 : i32
      %dma_wait3A_178 = tpu.memref_slice %arg2[%arg0, %dma_wait3A_176, %dma_wait3A_177] : memref<2x10000x64xf32, #tpu.memory_space<hbm>> -> memref<1x10000x64xf32, #tpu.memory_space<hbm>>
      %dma_wait3A_179 = tpu.memref_squeeze %dma_wait3A_178 : memref<1x10000x64xf32, #tpu.memory_space<hbm>> -> memref<10000x64xf32, #tpu.memory_space<hbm>>
      %dma_wait3A_180 = arith.constant 0 : i32
      %dma_wait3A_181 = arith.constant 0 : i32
      %dma_wait3A_182 = tpu.memref_slice %dma_wait3A_179[%dma_wait3A_180, %dma_wait3A_181] : memref<10000x64xf32, #tpu.memory_space<hbm>> -> memref<10000x64xf32, #tpu.memory_space<hbm>>
      tpu.wait_indirect_dma semaphore(%arg17 : memref<!tpu.dma_semaphore, #tpu.memory_space<semaphore_mem>>) src(%dma_wait3A_182 : memref<10000x64xf32, #tpu.memory_space<hbm>>) dst(%arg13 : memref<80x64xf32, #tpu.memory_space<vmem>>)
      "tpu.region"() ({
        %run_scoped3A_241 = tpu.sem_alloc : memref<!tpu.dma_semaphore, #tpu.memory_space<semaphore_mem>>
        %dma_start3A_242 = arith.constant 0 : i32
        %dma_start3A_243 = tpu.memref_slice %arg9[%add3A_172, %dma_start3A_242] : memref<250x80xi32, #tpu.memory_space<vmem>> -> memref<1x80xi32, #tpu.memory_space<vmem>>
        %dma_start3A_244 = tpu.memref_squeeze %dma_start3A_243 : memref<1x80xi32, #tpu.memory_space<vmem>> -> memref<80xi32, #tpu.memory_space<vmem>>
        %dma_start3A_245 = arith.constant 0 : i32
        %dma_start3A_246 = arith.constant 0 : i32
        %dma_start3A_247 = tpu.memref_slice %arg16[%dma_start3A_245, %dma_start3A_246] : memref<10240x64xf32, #tpu.memory_space<vmem_shared>> -> memref<10240x64xf32, #tpu.memory_space<vmem_shared>>
        tpu.enqueue_indirect_dma source(%arg13 : memref<80x64xf32, #tpu.memory_space<vmem>>) target(%dma_start3A_247 : memref<10240x64xf32, #tpu.memory_space<vmem_shared>>) offsets(%dma_start3A_244 : memref<80xi32, #tpu.memory_space<vmem>>) semaphore(%run_scoped3A_241 : memref<!tpu.dma_semaphore, #tpu.memory_space<semaphore_mem>>) {add = true}
        %dma_wait3A_248 = arith.constant 0 : i32
        %dma_wait3A_249 = tpu.memref_slice %arg9[%add3A_172, %dma_wait3A_248] : memref<250x80xi32, #tpu.memory_space<vmem>> -> memref<1x80xi32, #tpu.memory_space<vmem>>
        %dma_wait3A_250 = tpu.memref_squeeze %dma_wait3A_249 : memref<1x80xi32, #tpu.memory_space<vmem>> -> memref<80xi32, #tpu.memory_space<vmem>>
        %dma_wait3A_251 = arith.constant 0 : i32
        %dma_wait3A_252 = arith.constant 0 : i32
        %dma_wait3A_253 = tpu.memref_slice %arg16[%dma_wait3A_251, %dma_wait3A_252] : memref<10240x64xf32, #tpu.memory_space<vmem_shared>> -> memref<10240x64xf32, #tpu.memory_space<vmem_shared>>
        tpu.wait_indirect_dma semaphore(%run_scoped3A_241 : memref<!tpu.dma_semaphore, #tpu.memory_space<semaphore_mem>>) src(%arg13 : memref<80x64xf32, #tpu.memory_space<vmem>>) dst(%dma_wait3A_253 : memref<10240x64xf32, #tpu.memory_space<vmem_shared>>)
        tpu.yield
      }) : () -> ()
      %add3A_183 = arith.constant 5 : i32
      %add3A_184 = arith.addi %add3A_172, %add3A_183 : i32
      %lt3A_185 = arith.constant 250 : i32
      %lt3A_186 = arith.cmpi slt, %add3A_184, %lt3A_185 : i32
      %convert_element_type3A_187 = arith.extui %lt3A_186 : i1 to i32
      %cond3A_188 = arith.constant 0 : i32
      %cond3A_189 = arith.cmpi ne, %convert_element_type3A_187, %cond3A_188 : i32
      scf.if %cond3A_189 {
        %add3A_241 = arith.constant 5 : i32
        %add3A_242 = arith.addi %add3A_172, %add3A_241 : i32
        %dma_start3A_243 = arith.constant 0 : i32
        %dma_start3A_244 = tpu.memref_slice %arg8[%add3A_242, %dma_start3A_243] : memref<250x80xi32, #tpu.memory_space<vmem>> -> memref<1x80xi32, #tpu.memory_space<vmem>>
        %dma_start3A_245 = tpu.memref_squeeze %dma_start3A_244 : memref<1x80xi32, #tpu.memory_space<vmem>> -> memref<80xi32, #tpu.memory_space<vmem>>
        %dma_start3A_246 = arith.constant 0 : i32
        %dma_start3A_247 = arith.constant 0 : i32
        %dma_start3A_248 = tpu.memref_slice %arg2[%arg0, %dma_start3A_246, %dma_start3A_247] : memref<2x10000x64xf32, #tpu.memory_space<hbm>> -> memref<1x10000x64xf32, #tpu.memory_space<hbm>>
        %dma_start3A_249 = tpu.memref_squeeze %dma_start3A_248 : memref<1x10000x64xf32, #tpu.memory_space<hbm>> -> memref<10000x64xf32, #tpu.memory_space<hbm>>
        %dma_start3A_250 = arith.constant 0 : i32
        %dma_start3A_251 = arith.constant 0 : i32
        %dma_start3A_252 = tpu.memref_slice %dma_start3A_249[%dma_start3A_250, %dma_start3A_251] : memref<10000x64xf32, #tpu.memory_space<hbm>> -> memref<10000x64xf32, #tpu.memory_space<hbm>>
        tpu.enqueue_indirect_dma source(%dma_start3A_252 : memref<10000x64xf32, #tpu.memory_space<hbm>>) target(%arg13 : memref<80x64xf32, #tpu.memory_space<vmem>>) offsets(%dma_start3A_245 : memref<80xi32, #tpu.memory_space<vmem>>) semaphore(%arg17 : memref<!tpu.dma_semaphore, #tpu.memory_space<semaphore_mem>>)
      } else {
      }
      %get3A_190 = arith.index_cast %add3A_172 : i32 to index
      %get3A_191 = arith.constant 0 : index
      %get3A_192 = tpu.vector_load %arg9[%get3A_190, %get3A_191] {strides = array<i32>} : memref<250x80xi32, #tpu.memory_space<vmem>>, vector<16xi32>,
      tpu.vector_store_idx %arg15[%get3A_192], %broadcast_in_dim3A_4 {add = true} : memref<10240xf32, #tpu.memory_space<vmem>>[vector<16xi32>], vector<16xf32>,
      %get3A_193 = arith.index_cast %add3A_172 : i32 to index
      %get3A_194 = arith.constant 16 : index
      %get3A_195 = tpu.vector_load %arg9[%get3A_193, %get3A_194] {strides = array<i32>} : memref<250x80xi32, #tpu.memory_space<vmem>>, vector<16xi32>,
      tpu.vector_store_idx %arg15[%get3A_195], %broadcast_in_dim3A_4 {add = true} : memref<10240xf32, #tpu.memory_space<vmem>>[vector<16xi32>], vector<16xf32>,
      %get3A_196 = arith.index_cast %add3A_172 : i32 to index
      %get3A_197 = arith.constant 32 : index
      %get3A_198 = tpu.vector_load %arg9[%get3A_196, %get3A_197] {strides = array<i32>} : memref<250x80xi32, #tpu.memory_space<vmem>>, vector<16xi32>,
      tpu.vector_store_idx %arg15[%get3A_198], %broadcast_in_dim3A_4 {add = true} : memref<10240xf32, #tpu.memory_space<vmem>>[vector<16xi32>], vector<16xf32>,
      %get3A_199 = arith.index_cast %add3A_172 : i32 to index
      %get3A_200 = arith.constant 48 : index
      %get3A_201 = tpu.vector_load %arg9[%get3A_199, %get3A_200] {strides = array<i32>} : memref<250x80xi32, #tpu.memory_space<vmem>>, vector<16xi32>,
      tpu.vector_store_idx %arg15[%get3A_201], %broadcast_in_dim3A_4 {add = true} : memref<10240xf32, #tpu.memory_space<vmem>>[vector<16xi32>], vector<16xf32>,
      %get3A_202 = arith.index_cast %add3A_172 : i32 to index
      %get3A_203 = arith.constant 64 : index
      %get3A_204 = tpu.vector_load %arg9[%get3A_202, %get3A_203] {strides = array<i32>} : memref<250x80xi32, #tpu.memory_space<vmem>>, vector<16xi32>,
      tpu.vector_store_idx %arg15[%get3A_204], %broadcast_in_dim3A_4 {add = true} : memref<10240xf32, #tpu.memory_space<vmem>>[vector<16xi32>], vector<16xf32>,
      %mul3A_205 = arith.constant 5 : i32
      %mul3A_206 = arith.muli %scan3A_65, %mul3A_205 : i32
      %add3A_207 = arith.constant 4 : i32
      %add3A_208 = arith.addi %mul3A_206, %add3A_207 : i32
      %dma_wait3A_209 = arith.constant 0 : i32
      %dma_wait3A_210 = tpu.memref_slice %arg8[%add3A_208, %dma_wait3A_209] : memref<250x80xi32, #tpu.memory_space<vmem>> -> memref<1x80xi32, #tpu.memory_space<vmem>>
      %dma_wait3A_211 = tpu.memref_squeeze %dma_wait3A_210 : memref<1x80xi32, #tpu.memory_space<vmem>> -> memref<80xi32, #tpu.memory_space<vmem>>
      %dma_wait3A_212 = arith.constant 0 : i32
      %dma_wait3A_213 = arith.constant 0 : i32
      %dma_wait3A_214 = tpu.memref_slice %arg2[%arg0, %dma_wait3A_212, %dma_wait3A_213] : memref<2x10000x64xf32, #tpu.memory_space<hbm>> -> memref<1x10000x64xf32, #tpu.memory_space<hbm>>
      %dma_wait3A_215 = tpu.memref_squeeze %dma_wait3A_214 : memref<1x10000x64xf32, #tpu.memory_space<hbm>> -> memref<10000x64xf32, #tpu.memory_space<hbm>>
      %dma_wait3A_216 = arith.constant 0 : i32
      %dma_wait3A_217 = arith.constant 0 : i32
      %dma_wait3A_218 = tpu.memref_slice %dma_wait3A_215[%dma_wait3A_216, %dma_wait3A_217] : memref<10000x64xf32, #tpu.memory_space<hbm>> -> memref<10000x64xf32, #tpu.memory_space<hbm>>
      tpu.wait_indirect_dma semaphore(%arg17 : memref<!tpu.dma_semaphore, #tpu.memory_space<semaphore_mem>>) src(%dma_wait3A_218 : memref<10000x64xf32, #tpu.memory_space<hbm>>) dst(%arg14 : memref<80x64xf32, #tpu.memory_space<vmem>>)
      "tpu.region"() ({
        %run_scoped3A_241 = tpu.sem_alloc : memref<!tpu.dma_semaphore, #tpu.memory_space<semaphore_mem>>
        %dma_start3A_242 = arith.constant 0 : i32
        %dma_start3A_243 = tpu.memref_slice %arg9[%add3A_208, %dma_start3A_242] : memref<250x80xi32, #tpu.memory_space<vmem>> -> memref<1x80xi32, #tpu.memory_space<vmem>>
        %dma_start3A_244 = tpu.memref_squeeze %dma_start3A_243 : memref<1x80xi32, #tpu.memory_space<vmem>> -> memref<80xi32, #tpu.memory_space<vmem>>
        %dma_start3A_245 = arith.constant 0 : i32
        %dma_start3A_246 = arith.constant 0 : i32
        %dma_start3A_247 = tpu.memref_slice %arg16[%dma_start3A_245, %dma_start3A_246] : memref<10240x64xf32, #tpu.memory_space<vmem_shared>> -> memref<10240x64xf32, #tpu.memory_space<vmem_shared>>
        tpu.enqueue_indirect_dma source(%arg14 : memref<80x64xf32, #tpu.memory_space<vmem>>) target(%dma_start3A_247 : memref<10240x64xf32, #tpu.memory_space<vmem_shared>>) offsets(%dma_start3A_244 : memref<80xi32, #tpu.memory_space<vmem>>) semaphore(%run_scoped3A_241 : memref<!tpu.dma_semaphore, #tpu.memory_space<semaphore_mem>>) {add = true}
        %dma_wait3A_248 = arith.constant 0 : i32
        %dma_wait3A_249 = tpu.memref_slice %arg9[%add3A_208, %dma_wait3A_248] : memref<250x80xi32, #tpu.memory_space<vmem>> -> memref<1x80xi32, #tpu.memory_space<vmem>>
        %dma_wait3A_250 = tpu.memref_squeeze %dma_wait3A_249 : memref<1x80xi32, #tpu.memory_space<vmem>> -> memref<80xi32, #tpu.memory_space<vmem>>
        %dma_wait3A_251 = arith.constant 0 : i32
        %dma_wait3A_252 = arith.constant 0 : i32
        %dma_wait3A_253 = tpu.memref_slice %arg16[%dma_wait3A_251, %dma_wait3A_252] : memref<10240x64xf32, #tpu.memory_space<vmem_shared>> -> memref<10240x64xf32, #tpu.memory_space<vmem_shared>>
        tpu.wait_indirect_dma semaphore(%run_scoped3A_241 : memref<!tpu.dma_semaphore, #tpu.memory_space<semaphore_mem>>) src(%arg14 : memref<80x64xf32, #tpu.memory_space<vmem>>) dst(%dma_wait3A_253 : memref<10240x64xf32, #tpu.memory_space<vmem_shared>>)
        tpu.yield
      }) : () -> ()
      %add3A_219 = arith.constant 5 : i32
      %add3A_220 = arith.addi %add3A_208, %add3A_219 : i32
      %lt3A_221 = arith.constant 250 : i32
      %lt3A_222 = arith.cmpi slt, %add3A_220, %lt3A_221 : i32
      %convert_element_type3A_223 = arith.extui %lt3A_222 : i1 to i32
      %cond3A_224 = arith.constant 0 : i32
      %cond3A_225 = arith.cmpi ne, %convert_element_type3A_223, %cond3A_224 : i32
      scf.if %cond3A_225 {
        %add3A_241 = arith.constant 5 : i32
        %add3A_242 = arith.addi %add3A_208, %add3A_241 : i32
        %dma_start3A_243 = arith.constant 0 : i32
        %dma_start3A_244 = tpu.memref_slice %arg8[%add3A_242, %dma_start3A_243] : memref<250x80xi32, #tpu.memory_space<vmem>> -> memref<1x80xi32, #tpu.memory_space<vmem>>
        %dma_start3A_245 = tpu.memref_squeeze %dma_start3A_244 : memref<1x80xi32, #tpu.memory_space<vmem>> -> memref<80xi32, #tpu.memory_space<vmem>>
        %dma_start3A_246 = arith.constant 0 : i32
        %dma_start3A_247 = arith.constant 0 : i32
        %dma_start3A_248 = tpu.memref_slice %arg2[%arg0, %dma_start3A_246, %dma_start3A_247] : memref<2x10000x64xf32, #tpu.memory_space<hbm>> -> memref<1x10000x64xf32, #tpu.memory_space<hbm>>
        %dma_start3A_249 = tpu.memref_squeeze %dma_start3A_248 : memref<1x10000x64xf32, #tpu.memory_space<hbm>> -> memref<10000x64xf32, #tpu.memory_space<hbm>>
        %dma_start3A_250 = arith.constant 0 : i32
        %dma_start3A_251 = arith.constant 0 : i32
        %dma_start3A_252 = tpu.memref_slice %dma_start3A_249[%dma_start3A_250, %dma_start3A_251] : memref<10000x64xf32, #tpu.memory_space<hbm>> -> memref<10000x64xf32, #tpu.memory_space<hbm>>
        tpu.enqueue_indirect_dma source(%dma_start3A_252 : memref<10000x64xf32, #tpu.memory_space<hbm>>) target(%arg14 : memref<80x64xf32, #tpu.memory_space<vmem>>) offsets(%dma_start3A_245 : memref<80xi32, #tpu.memory_space<vmem>>) semaphore(%arg17 : memref<!tpu.dma_semaphore, #tpu.memory_space<semaphore_mem>>)
      } else {
      }
      %get3A_226 = arith.index_cast %add3A_208 : i32 to index
      %get3A_227 = arith.constant 0 : index
      %get3A_228 = tpu.vector_load %arg9[%get3A_226, %get3A_227] {strides = array<i32>} : memref<250x80xi32, #tpu.memory_space<vmem>>, vector<16xi32>,
      tpu.vector_store_idx %arg15[%get3A_228], %broadcast_in_dim3A_4 {add = true} : memref<10240xf32, #tpu.memory_space<vmem>>[vector<16xi32>], vector<16xf32>,
      %get3A_229 = arith.index_cast %add3A_208 : i32 to index
      %get3A_230 = arith.constant 16 : index
      %get3A_231 = tpu.vector_load %arg9[%get3A_229, %get3A_230] {strides = array<i32>} : memref<250x80xi32, #tpu.memory_space<vmem>>, vector<16xi32>,
      tpu.vector_store_idx %arg15[%get3A_231], %broadcast_in_dim3A_4 {add = true} : memref<10240xf32, #tpu.memory_space<vmem>>[vector<16xi32>], vector<16xf32>,
      %get3A_232 = arith.index_cast %add3A_208 : i32 to index
      %get3A_233 = arith.constant 32 : index
      %get3A_234 = tpu.vector_load %arg9[%get3A_232, %get3A_233] {strides = array<i32>} : memref<250x80xi32, #tpu.memory_space<vmem>>, vector<16xi32>,
      tpu.vector_store_idx %arg15[%get3A_234], %broadcast_in_dim3A_4 {add = true} : memref<10240xf32, #tpu.memory_space<vmem>>[vector<16xi32>], vector<16xf32>,
      %get3A_235 = arith.index_cast %add3A_208 : i32 to index
      %get3A_236 = arith.constant 48 : index
      %get3A_237 = tpu.vector_load %arg9[%get3A_235, %get3A_236] {strides = array<i32>} : memref<250x80xi32, #tpu.memory_space<vmem>>, vector<16xi32>,
      tpu.vector_store_idx %arg15[%get3A_237], %broadcast_in_dim3A_4 {add = true} : memref<10240xf32, #tpu.memory_space<vmem>>[vector<16xi32>], vector<16xf32>,
      %get3A_238 = arith.index_cast %add3A_208 : i32 to index
      %get3A_239 = arith.constant 64 : index
      %get3A_240 = tpu.vector_load %arg9[%get3A_238, %get3A_239] {strides = array<i32>} : memref<250x80xi32, #tpu.memory_space<vmem>>, vector<16xi32>,
      tpu.vector_store_idx %arg15[%get3A_240], %broadcast_in_dim3A_4 {add = true} : memref<10240xf32, #tpu.memory_space<vmem>>[vector<16xi32>], vector<16xf32>,
    }
    %scan3A_63 = arith.constant 50 : i32
    %barrier3A_64 = arith.constant 0 : index
    tpu.barrier barrier_id(%barrier3A_64)
    "tpu.region"() ({
      %run_scoped3A_65 = tpu.sem_alloc : memref<!tpu.dma_semaphore, #tpu.memory_space<semaphore_mem>>
      %dma_start3A_66 = arith.constant 0 : i32
      %dma_start3A_67 = tpu.memref_slice %arg6[%arg0, %mul3A_2, %dma_start3A_66] : memref<2x10240x64xf32, #tpu.memory_space<hbm>> -> memref<1x640x64xf32, #tpu.memory_space<hbm>>
      %dma_start3A_68 = tpu.memref_squeeze %dma_start3A_67 : memref<1x640x64xf32, #tpu.memory_space<hbm>> -> memref<640x64xf32, #tpu.memory_space<hbm>>
      %dma_start3A_69 = arith.constant 0 : i32
      %dma_start3A_70 = tpu.memref_slice %arg16[%mul3A_2, %dma_start3A_69] : memref<10240x64xf32, #tpu.memory_space<vmem_shared>> -> memref<640x64xf32, #tpu.memory_space<vmem_shared>>
      tpu.enqueue_dma source(%dma_start3A_70 : memref<640x64xf32, #tpu.memory_space<vmem_shared>>) target(%dma_start3A_68 : memref<640x64xf32, #tpu.memory_space<hbm>>) target_semaphore(%run_scoped3A_65 : memref<!tpu.dma_semaphore, #tpu.memory_space<semaphore_mem>>)
      %dma_wait3A = arith.constant 0 : i32
      %dma_wait3A_71 = tpu.memref_slice %arg6[%arg0, %mul3A_2, %dma_wait3A] : memref<2x10240x64xf32, #tpu.memory_space<hbm>> -> memref<1x640x64xf32, #tpu.memory_space<hbm>>
      %dma_wait3A_72 = tpu.memref_squeeze %dma_wait3A_71 : memref<1x640x64xf32, #tpu.memory_space<hbm>> -> memref<640x64xf32, #tpu.memory_space<hbm>>
      %dma_wait3A_73 = arith.constant 0 : i32
      %dma_wait3A_74 = tpu.memref_slice %arg16[%mul3A_2, %dma_wait3A_73] : memref<10240x64xf32, #tpu.memory_space<vmem_shared>> -> memref<640x64xf32, #tpu.memory_space<vmem_shared>>
      tpu.wait_dma2 semaphore(%run_scoped3A_65 : memref<!tpu.dma_semaphore, #tpu.memory_space<semaphore_mem>>) src(%dma_wait3A_74 : memref<640x64xf32, #tpu.memory_space<vmem_shared>>) dst(%dma_wait3A_72 : memref<640x64xf32, #tpu.memory_space<hbm>>)
      tpu.yield
    }) : () -> ()
    "tpu.region"() ({
      %run_scoped3A_65 = tpu.sem_alloc : memref<!tpu.dma_semaphore, #tpu.memory_space<semaphore_mem>>
      %dma_start3A_66 = arith.constant 0 : i32
      %dma_start3A_67 = tpu.memref_slice %arg7[%add3A, %dma_start3A_66] : memref<32x10240xf32, #tpu.memory_space<hbm>> -> memref<1x10240xf32, #tpu.memory_space<hbm>>
      %dma_start3A_68 = tpu.memref_squeeze %dma_start3A_67 : memref<1x10240xf32, #tpu.memory_space<hbm>> -> memref<10240xf32, #tpu.memory_space<hbm>>
      %dma_start3A_69 = arith.constant 0 : i32
      %dma_start3A_70 = tpu.memref_slice %arg7[%add3A, %dma_start3A_69] : memref<32x10240xf32, #tpu.memory_space<hbm>> -> memref<1x10240xf32, #tpu.memory_space<hbm>>
      %dma_start3A_71 = tpu.memref_squeeze %dma_start3A_70 : memref<1x10240xf32, #tpu.memory_space<hbm>> -> memref<10240xf32, #tpu.memory_space<hbm>>
      tpu.enqueue_dma source(%arg15 : memref<10240xf32, #tpu.memory_space<vmem>>) target(%dma_start3A_71 : memref<10240xf32, #tpu.memory_space<hbm>>) target_semaphore(%run_scoped3A_65 : memref<!tpu.dma_semaphore, #tpu.memory_space<semaphore_mem>>)
      %dma_wait3A = arith.constant 0 : i32
      %dma_wait3A_72 = tpu.memref_slice %arg7[%add3A, %dma_wait3A] : memref<32x10240xf32, #tpu.memory_space<hbm>> -> memref<1x10240xf32, #tpu.memory_space<hbm>>
      %dma_wait3A_73 = tpu.memref_squeeze %dma_wait3A_72 : memref<1x10240xf32, #tpu.memory_space<hbm>> -> memref<10240xf32, #tpu.memory_space<hbm>>
      %dma_wait3A_74 = arith.constant 0 : i32
      %dma_wait3A_75 = tpu.memref_slice %arg7[%add3A, %dma_wait3A_74] : memref<32x10240xf32, #tpu.memory_space<hbm>> -> memref<1x10240xf32, #tpu.memory_space<hbm>>
      %dma_wait3A_76 = tpu.memref_squeeze %dma_wait3A_75 : memref<1x10240xf32, #tpu.memory_space<hbm>> -> memref<10240xf32, #tpu.memory_space<hbm>>
      tpu.wait_dma2 semaphore(%run_scoped3A_65 : memref<!tpu.dma_semaphore, #tpu.memory_space<semaphore_mem>>) src(%arg15 : memref<10240xf32, #tpu.memory_space<vmem>>) dst(%dma_wait3A_76 : memref<10240xf32, #tpu.memory_space<hbm>>)
      tpu.yield
    }) : () -> ()
    return
  }
}

module attributes {stable_mosaic.version = 14 : i64} {
  func.func @_mlp_split_body(%arg0: memref<10000x128xf32, #tpu.memory_space<vmem>>, %arg1: memref<128x128xf32, #tpu.memory_space<vmem>>, %arg2: memref<128xf32, #tpu.memory_space<vmem>>, %arg3: memref<128xf32, #tpu.memory_space<vmem>>, %arg4: memref<128xf32, #tpu.memory_space<vmem>>, %arg5: memref<128x128xf32, #tpu.memory_space<vmem>>, %arg6: memref<128xf32, #tpu.memory_space<vmem>>, %arg7: memref<128xf32, #tpu.memory_space<vmem>>, %arg8: memref<128xf32, #tpu.memory_space<vmem>>, %arg9: memref<2x10000x64xf32, #tpu.memory_space<vmem>>) attributes {dimension_semantics = [], scalar_prefetch = 0 : i64, scratch_operands = 0 : i64, tpu.core_type = #tpu.core_type<tc>} {
    %get3A = arith.constant 0 : index
    %get3A_0 = arith.constant 0 : index
    %get3A_1 = vector.load %arg0[%get3A, %get3A_0] : memref<10000x128xf32, #tpu.memory_space<vmem>>, vector<10000x128xf32>
    %get3A_2 = arith.constant 0 : index
    %get3A_3 = arith.constant 0 : index
    %get3A_4 = vector.load %arg1[%get3A_2, %get3A_3] : memref<128x128xf32, #tpu.memory_space<vmem>>, vector<128x128xf32>
    %dot_general3A = arith.constant dense<0.000000e+00> : vector<10000x128xf32>
    %dot_general3A_5 = tpu.matmul %get3A_1, %get3A_4, %dot_general3A {dimension_numbers = #tpu.dot_dimension_numbers<[1], [1], [0], [0], [0, 0, 1, 0], [], []>, transpose_lhs_hint = false} : vector<10000x128xf32>, vector<128x128xf32>, vector<10000x128xf32> -> vector<10000x128xf32>
    %get3A_6 = arith.constant 0 : index
    %get3A_7 = vector.load %arg2[%get3A_6] : memref<128xf32, #tpu.memory_space<vmem>>, vector<128xf32>
    %broadcast_in_dim3A = vector.shape_cast %get3A_7 : vector<128xf32> to vector<1x128xf32>
    %add3A = vector.broadcast %broadcast_in_dim3A : vector<1x128xf32> to vector<10000x128xf32>
    %add3A_8 = arith.addf %dot_general3A_5, %add3A : vector<10000x128xf32>
    %get3A_9 = arith.constant 0 : index
    %get3A_10 = vector.load %arg3[%get3A_9] : memref<128xf32, #tpu.memory_space<vmem>>, vector<128xf32>
    %get3A_11 = arith.constant 0 : index
    %get3A_12 = vector.load %arg4[%get3A_11] : memref<128xf32, #tpu.memory_space<vmem>>, vector<128xf32>
    %reduce_sum3A = arith.constant dense<0.000000e+00> : vector<128xf32>
    %reduce_sum3A_13 = vector.multi_reduction <add>, %add3A_8, %reduce_sum3A [0] : vector<10000x128xf32> to vector<128xf32>
    %broadcast_in_dim3A_14 = vector.shape_cast %reduce_sum3A_13 : vector<128xf32> to vector<1x128xf32>
    %div3A = arith.constant 1.000000e+04 : f32
    %div3A_15 = vector.broadcast %div3A : f32 to vector<1x128xf32>
    %div3A_16 = arith.divf %broadcast_in_dim3A_14, %div3A_15 : vector<1x128xf32>
    %sub3A = vector.broadcast %div3A_16 : vector<1x128xf32> to vector<10000x128xf32>
    %sub3A_17 = arith.subf %add3A_8, %sub3A : vector<10000x128xf32>
    %integer_pow3A = arith.mulf %sub3A_17, %sub3A_17 : vector<10000x128xf32>
    %reduce_sum3A_18 = arith.constant dense<0.000000e+00> : vector<128xf32>
    %reduce_sum3A_19 = vector.multi_reduction <add>, %integer_pow3A, %reduce_sum3A_18 [0] : vector<10000x128xf32> to vector<128xf32>
    %broadcast_in_dim3A_20 = vector.shape_cast %reduce_sum3A_19 : vector<128xf32> to vector<1x128xf32>
    %div3A_21 = arith.constant 1.000000e+04 : f32
    %div3A_22 = vector.broadcast %div3A_21 : f32 to vector<1x128xf32>
    %div3A_23 = arith.divf %broadcast_in_dim3A_20, %div3A_22 : vector<1x128xf32>
    %sub3A_24 = vector.broadcast %div3A_16 : vector<1x128xf32> to vector<10000x128xf32>
    %sub3A_25 = arith.subf %add3A_8, %sub3A_24 : vector<10000x128xf32>
    %broadcast_in_dim3A_26 = vector.shape_cast %get3A_10 : vector<128xf32> to vector<1x128xf32>
    %mul3A = vector.broadcast %broadcast_in_dim3A_26 : vector<1x128xf32> to vector<10000x128xf32>
    %mul3A_27 = arith.mulf %mul3A, %sub3A_25 : vector<10000x128xf32>
    %add3A_28 = arith.constant 9.99999974E-6 : f32
    %add3A_29 = vector.broadcast %add3A_28 : f32 to vector<1x128xf32>
    %add3A_30 = arith.addf %div3A_23, %add3A_29 : vector<1x128xf32>
    %sqrt3A = math.sqrt %add3A_30 : vector<1x128xf32>
    %div3A_31 = vector.broadcast %sqrt3A : vector<1x128xf32> to vector<10000x128xf32>
    %div3A_32 = arith.divf %mul3A_27, %div3A_31 : vector<10000x128xf32>
    %broadcast_in_dim3A_33 = vector.shape_cast %get3A_12 : vector<128xf32> to vector<1x128xf32>
    %add3A_34 = vector.broadcast %broadcast_in_dim3A_33 : vector<1x128xf32> to vector<10000x128xf32>
    %add3A_35 = arith.addf %div3A_32, %add3A_34 : vector<10000x128xf32>
    %max3A = arith.constant 0.000000e+00 : f32
    %max3A_36 = vector.broadcast %max3A : f32 to vector<10000x128xf32>
    %max3A_37 = arith.maximumf %add3A_35, %max3A_36 : vector<10000x128xf32>
    %get3A_38 = arith.constant 0 : index
    %get3A_39 = arith.constant 0 : index
    %get3A_40 = vector.load %arg5[%get3A_38, %get3A_39] : memref<128x128xf32, #tpu.memory_space<vmem>>, vector<128x128xf32>
    %dot_general3A_41 = arith.constant dense<0.000000e+00> : vector<10000x128xf32>
    %dot_general3A_42 = tpu.matmul %max3A_37, %get3A_40, %dot_general3A_41 {dimension_numbers = #tpu.dot_dimension_numbers<[1], [1], [0], [0], [0, 0, 1, 0], [], []>, transpose_lhs_hint = false} : vector<10000x128xf32>, vector<128x128xf32>, vector<10000x128xf32> -> vector<10000x128xf32>
    %get3A_43 = arith.constant 0 : index
    %get3A_44 = vector.load %arg6[%get3A_43] : memref<128xf32, #tpu.memory_space<vmem>>, vector<128xf32>
    %broadcast_in_dim3A_45 = vector.shape_cast %get3A_44 : vector<128xf32> to vector<1x128xf32>
    %add3A_46 = vector.broadcast %broadcast_in_dim3A_45 : vector<1x128xf32> to vector<10000x128xf32>
    %add3A_47 = arith.addf %dot_general3A_42, %add3A_46 : vector<10000x128xf32>
    %get3A_48 = arith.constant 0 : index
    %get3A_49 = vector.load %arg7[%get3A_48] : memref<128xf32, #tpu.memory_space<vmem>>, vector<128xf32>
    %get3A_50 = arith.constant 0 : index
    %get3A_51 = vector.load %arg8[%get3A_50] : memref<128xf32, #tpu.memory_space<vmem>>, vector<128xf32>
    %reduce_sum3A_52 = arith.constant dense<0.000000e+00> : vector<128xf32>
    %reduce_sum3A_53 = vector.multi_reduction <add>, %add3A_47, %reduce_sum3A_52 [0] : vector<10000x128xf32> to vector<128xf32>
    %broadcast_in_dim3A_54 = vector.shape_cast %reduce_sum3A_53 : vector<128xf32> to vector<1x128xf32>
    %div3A_55 = arith.constant 1.000000e+04 : f32
    %div3A_56 = vector.broadcast %div3A_55 : f32 to vector<1x128xf32>
    %div3A_57 = arith.divf %broadcast_in_dim3A_54, %div3A_56 : vector<1x128xf32>
    %sub3A_58 = vector.broadcast %div3A_57 : vector<1x128xf32> to vector<10000x128xf32>
    %sub3A_59 = arith.subf %add3A_47, %sub3A_58 : vector<10000x128xf32>
    %integer_pow3A_60 = arith.mulf %sub3A_59, %sub3A_59 : vector<10000x128xf32>
    %reduce_sum3A_61 = arith.constant dense<0.000000e+00> : vector<128xf32>
    %reduce_sum3A_62 = vector.multi_reduction <add>, %integer_pow3A_60, %reduce_sum3A_61 [0] : vector<10000x128xf32> to vector<128xf32>
    %broadcast_in_dim3A_63 = vector.shape_cast %reduce_sum3A_62 : vector<128xf32> to vector<1x128xf32>
    %div3A_64 = arith.constant 1.000000e+04 : f32
    %div3A_65 = vector.broadcast %div3A_64 : f32 to vector<1x128xf32>
    %div3A_66 = arith.divf %broadcast_in_dim3A_63, %div3A_65 : vector<1x128xf32>
    %sub3A_67 = vector.broadcast %div3A_57 : vector<1x128xf32> to vector<10000x128xf32>
    %sub3A_68 = arith.subf %add3A_47, %sub3A_67 : vector<10000x128xf32>
    %broadcast_in_dim3A_69 = vector.shape_cast %get3A_49 : vector<128xf32> to vector<1x128xf32>
    %mul3A_70 = vector.broadcast %broadcast_in_dim3A_69 : vector<1x128xf32> to vector<10000x128xf32>
    %mul3A_71 = arith.mulf %mul3A_70, %sub3A_68 : vector<10000x128xf32>
    %add3A_72 = arith.constant 9.99999974E-6 : f32
    %add3A_73 = vector.broadcast %add3A_72 : f32 to vector<1x128xf32>
    %add3A_74 = arith.addf %div3A_66, %add3A_73 : vector<1x128xf32>
    %sqrt3A_75 = math.sqrt %add3A_74 : vector<1x128xf32>
    %div3A_76 = vector.broadcast %sqrt3A_75 : vector<1x128xf32> to vector<10000x128xf32>
    %div3A_77 = arith.divf %mul3A_71, %div3A_76 : vector<10000x128xf32>
    %broadcast_in_dim3A_78 = vector.shape_cast %get3A_51 : vector<128xf32> to vector<1x128xf32>
    %add3A_79 = vector.broadcast %broadcast_in_dim3A_78 : vector<1x128xf32> to vector<10000x128xf32>
    %add3A_80 = arith.addf %div3A_77, %add3A_79 : vector<10000x128xf32>
    %max3A_81 = arith.constant 0.000000e+00 : f32
    %max3A_82 = vector.broadcast %max3A_81 : f32 to vector<10000x128xf32>
    %max3A_83 = arith.maximumf %add3A_80, %max3A_82 : vector<10000x128xf32>
    %slice3A = vector.extract_strided_slice %max3A_83 {offsets = [0, 0], sizes = [10000, 64], strides = [1, 1]} : vector<10000x128xf32> to vector<10000x64xf32>
    %swap3A = arith.constant 0 : index
    %swap3A_84 = arith.constant 0 : index
    %swap3A_85 = arith.constant 0 : index
    %swap3A_86 = vector.load %arg9[%swap3A, %swap3A_84, %swap3A_85] : memref<2x10000x64xf32, #tpu.memory_space<vmem>>, vector<1x10000x64xf32>
    %swap3A_87 = vector.shape_cast %swap3A_86 : vector<1x10000x64xf32> to vector<10000x64xf32>
    %swap3A_88 = vector.shape_cast %slice3A : vector<10000x64xf32> to vector<1x10000x64xf32>
    tpu.vector_store %arg9[%swap3A, %swap3A_84, %swap3A_85], %swap3A_88 {strides = array<i32>} : memref<2x10000x64xf32, #tpu.memory_space<vmem>>, vector<1x10000x64xf32>,
    %slice3A_89 = vector.extract_strided_slice %max3A_83 {offsets = [0, 64], sizes = [10000, 64], strides = [1, 1]} : vector<10000x128xf32> to vector<10000x64xf32>
    %swap3A_90 = arith.constant 1 : index
    %swap3A_91 = arith.constant 0 : index
    %swap3A_92 = arith.constant 0 : index
    %swap3A_93 = vector.load %arg9[%swap3A_90, %swap3A_91, %swap3A_92] : memref<2x10000x64xf32, #tpu.memory_space<vmem>>, vector<1x10000x64xf32>
    %swap3A_94 = vector.shape_cast %swap3A_93 : vector<1x10000x64xf32> to vector<10000x64xf32>
    %swap3A_95 = vector.shape_cast %slice3A_89 : vector<10000x64xf32> to vector<1x10000x64xf32>
    tpu.vector_store %arg9[%swap3A_90, %swap3A_91, %swap3A_92], %swap3A_95 {strides = array<i32>} : memref<2x10000x64xf32, #tpu.memory_space<vmem>>, vector<1x10000x64xf32>,
    return
  }
}

module attributes {stable_mosaic.version = 14 : i64} {
  func.func @_mlp_body(%arg0: memref<10000x128xf32, #tpu.memory_space<vmem>>, %arg1: memref<128x128xf32, #tpu.memory_space<vmem>>, %arg2: memref<128xf32, #tpu.memory_space<vmem>>, %arg3: memref<128xf32, #tpu.memory_space<vmem>>, %arg4: memref<128xf32, #tpu.memory_space<vmem>>, %arg5: memref<128x128xf32, #tpu.memory_space<vmem>>, %arg6: memref<128xf32, #tpu.memory_space<vmem>>, %arg7: memref<128xf32, #tpu.memory_space<vmem>>, %arg8: memref<128xf32, #tpu.memory_space<vmem>>, %arg9: memref<10000x128xf32, #tpu.memory_space<vmem>>) attributes {dimension_semantics = [], scalar_prefetch = 0 : i64, scratch_operands = 0 : i64, tpu.core_type = #tpu.core_type<tc>} {
    %get3A = arith.constant 0 : index
    %get3A_0 = arith.constant 0 : index
    %get3A_1 = vector.load %arg0[%get3A, %get3A_0] : memref<10000x128xf32, #tpu.memory_space<vmem>>, vector<10000x128xf32>
    %get3A_2 = arith.constant 0 : index
    %get3A_3 = arith.constant 0 : index
    %get3A_4 = vector.load %arg1[%get3A_2, %get3A_3] : memref<128x128xf32, #tpu.memory_space<vmem>>, vector<128x128xf32>
    %dot_general3A = arith.constant dense<0.000000e+00> : vector<10000x128xf32>
    %dot_general3A_5 = tpu.matmul %get3A_1, %get3A_4, %dot_general3A {dimension_numbers = #tpu.dot_dimension_numbers<[1], [1], [0], [0], [0, 0, 1, 0], [], []>, transpose_lhs_hint = false} : vector<10000x128xf32>, vector<128x128xf32>, vector<10000x128xf32> -> vector<10000x128xf32>
    %get3A_6 = arith.constant 0 : index
    %get3A_7 = vector.load %arg2[%get3A_6] : memref<128xf32, #tpu.memory_space<vmem>>, vector<128xf32>
    %broadcast_in_dim3A = vector.shape_cast %get3A_7 : vector<128xf32> to vector<1x128xf32>
    %add3A = vector.broadcast %broadcast_in_dim3A : vector<1x128xf32> to vector<10000x128xf32>
    %add3A_8 = arith.addf %dot_general3A_5, %add3A : vector<10000x128xf32>
    %get3A_9 = arith.constant 0 : index
    %get3A_10 = vector.load %arg3[%get3A_9] : memref<128xf32, #tpu.memory_space<vmem>>, vector<128xf32>
    %get3A_11 = arith.constant 0 : index
    %get3A_12 = vector.load %arg4[%get3A_11] : memref<128xf32, #tpu.memory_space<vmem>>, vector<128xf32>
    %reduce_sum3A = arith.constant dense<0.000000e+00> : vector<128xf32>
    %reduce_sum3A_13 = vector.multi_reduction <add>, %add3A_8, %reduce_sum3A [0] : vector<10000x128xf32> to vector<128xf32>
    %broadcast_in_dim3A_14 = vector.shape_cast %reduce_sum3A_13 : vector<128xf32> to vector<1x128xf32>
    %div3A = arith.constant 1.000000e+04 : f32
    %div3A_15 = vector.broadcast %div3A : f32 to vector<1x128xf32>
    %div3A_16 = arith.divf %broadcast_in_dim3A_14, %div3A_15 : vector<1x128xf32>
    %sub3A = vector.broadcast %div3A_16 : vector<1x128xf32> to vector<10000x128xf32>
    %sub3A_17 = arith.subf %add3A_8, %sub3A : vector<10000x128xf32>
    %integer_pow3A = arith.mulf %sub3A_17, %sub3A_17 : vector<10000x128xf32>
    %reduce_sum3A_18 = arith.constant dense<0.000000e+00> : vector<128xf32>
    %reduce_sum3A_19 = vector.multi_reduction <add>, %integer_pow3A, %reduce_sum3A_18 [0] : vector<10000x128xf32> to vector<128xf32>
    %broadcast_in_dim3A_20 = vector.shape_cast %reduce_sum3A_19 : vector<128xf32> to vector<1x128xf32>
    %div3A_21 = arith.constant 1.000000e+04 : f32
    %div3A_22 = vector.broadcast %div3A_21 : f32 to vector<1x128xf32>
    %div3A_23 = arith.divf %broadcast_in_dim3A_20, %div3A_22 : vector<1x128xf32>
    %sub3A_24 = vector.broadcast %div3A_16 : vector<1x128xf32> to vector<10000x128xf32>
    %sub3A_25 = arith.subf %add3A_8, %sub3A_24 : vector<10000x128xf32>
    %broadcast_in_dim3A_26 = vector.shape_cast %get3A_10 : vector<128xf32> to vector<1x128xf32>
    %mul3A = vector.broadcast %broadcast_in_dim3A_26 : vector<1x128xf32> to vector<10000x128xf32>
    %mul3A_27 = arith.mulf %mul3A, %sub3A_25 : vector<10000x128xf32>
    %add3A_28 = arith.constant 9.99999974E-6 : f32
    %add3A_29 = vector.broadcast %add3A_28 : f32 to vector<1x128xf32>
    %add3A_30 = arith.addf %div3A_23, %add3A_29 : vector<1x128xf32>
    %sqrt3A = math.sqrt %add3A_30 : vector<1x128xf32>
    %div3A_31 = vector.broadcast %sqrt3A : vector<1x128xf32> to vector<10000x128xf32>
    %div3A_32 = arith.divf %mul3A_27, %div3A_31 : vector<10000x128xf32>
    %broadcast_in_dim3A_33 = vector.shape_cast %get3A_12 : vector<128xf32> to vector<1x128xf32>
    %add3A_34 = vector.broadcast %broadcast_in_dim3A_33 : vector<1x128xf32> to vector<10000x128xf32>
    %add3A_35 = arith.addf %div3A_32, %add3A_34 : vector<10000x128xf32>
    %max3A = arith.constant 0.000000e+00 : f32
    %max3A_36 = vector.broadcast %max3A : f32 to vector<10000x128xf32>
    %max3A_37 = arith.maximumf %add3A_35, %max3A_36 : vector<10000x128xf32>
    %get3A_38 = arith.constant 0 : index
    %get3A_39 = arith.constant 0 : index
    %get3A_40 = vector.load %arg5[%get3A_38, %get3A_39] : memref<128x128xf32, #tpu.memory_space<vmem>>, vector<128x128xf32>
    %dot_general3A_41 = arith.constant dense<0.000000e+00> : vector<10000x128xf32>
    %dot_general3A_42 = tpu.matmul %max3A_37, %get3A_40, %dot_general3A_41 {dimension_numbers = #tpu.dot_dimension_numbers<[1], [1], [0], [0], [0, 0, 1, 0], [], []>, transpose_lhs_hint = false} : vector<10000x128xf32>, vector<128x128xf32>, vector<10000x128xf32> -> vector<10000x128xf32>
    %get3A_43 = arith.constant 0 : index
    %get3A_44 = vector.load %arg6[%get3A_43] : memref<128xf32, #tpu.memory_space<vmem>>, vector<128xf32>
    %broadcast_in_dim3A_45 = vector.shape_cast %get3A_44 : vector<128xf32> to vector<1x128xf32>
    %add3A_46 = vector.broadcast %broadcast_in_dim3A_45 : vector<1x128xf32> to vector<10000x128xf32>
    %add3A_47 = arith.addf %dot_general3A_42, %add3A_46 : vector<10000x128xf32>
    %get3A_48 = arith.constant 0 : index
    %get3A_49 = vector.load %arg7[%get3A_48] : memref<128xf32, #tpu.memory_space<vmem>>, vector<128xf32>
    %get3A_50 = arith.constant 0 : index
    %get3A_51 = vector.load %arg8[%get3A_50] : memref<128xf32, #tpu.memory_space<vmem>>, vector<128xf32>
    %reduce_sum3A_52 = arith.constant dense<0.000000e+00> : vector<128xf32>
    %reduce_sum3A_53 = vector.multi_reduction <add>, %add3A_47, %reduce_sum3A_52 [0] : vector<10000x128xf32> to vector<128xf32>
    %broadcast_in_dim3A_54 = vector.shape_cast %reduce_sum3A_53 : vector<128xf32> to vector<1x128xf32>
    %div3A_55 = arith.constant 1.000000e+04 : f32
    %div3A_56 = vector.broadcast %div3A_55 : f32 to vector<1x128xf32>
    %div3A_57 = arith.divf %broadcast_in_dim3A_54, %div3A_56 : vector<1x128xf32>
    %sub3A_58 = vector.broadcast %div3A_57 : vector<1x128xf32> to vector<10000x128xf32>
    %sub3A_59 = arith.subf %add3A_47, %sub3A_58 : vector<10000x128xf32>
    %integer_pow3A_60 = arith.mulf %sub3A_59, %sub3A_59 : vector<10000x128xf32>
    %reduce_sum3A_61 = arith.constant dense<0.000000e+00> : vector<128xf32>
    %reduce_sum3A_62 = vector.multi_reduction <add>, %integer_pow3A_60, %reduce_sum3A_61 [0] : vector<10000x128xf32> to vector<128xf32>
    %broadcast_in_dim3A_63 = vector.shape_cast %reduce_sum3A_62 : vector<128xf32> to vector<1x128xf32>
    %div3A_64 = arith.constant 1.000000e+04 : f32
    %div3A_65 = vector.broadcast %div3A_64 : f32 to vector<1x128xf32>
    %div3A_66 = arith.divf %broadcast_in_dim3A_63, %div3A_65 : vector<1x128xf32>
    %sub3A_67 = vector.broadcast %div3A_57 : vector<1x128xf32> to vector<10000x128xf32>
    %sub3A_68 = arith.subf %add3A_47, %sub3A_67 : vector<10000x128xf32>
    %broadcast_in_dim3A_69 = vector.shape_cast %get3A_49 : vector<128xf32> to vector<1x128xf32>
    %mul3A_70 = vector.broadcast %broadcast_in_dim3A_69 : vector<1x128xf32> to vector<10000x128xf32>
    %mul3A_71 = arith.mulf %mul3A_70, %sub3A_68 : vector<10000x128xf32>
    %add3A_72 = arith.constant 9.99999974E-6 : f32
    %add3A_73 = vector.broadcast %add3A_72 : f32 to vector<1x128xf32>
    %add3A_74 = arith.addf %div3A_66, %add3A_73 : vector<1x128xf32>
    %sqrt3A_75 = math.sqrt %add3A_74 : vector<1x128xf32>
    %div3A_76 = vector.broadcast %sqrt3A_75 : vector<1x128xf32> to vector<10000x128xf32>
    %div3A_77 = arith.divf %mul3A_71, %div3A_76 : vector<10000x128xf32>
    %broadcast_in_dim3A_78 = vector.shape_cast %get3A_51 : vector<128xf32> to vector<1x128xf32>
    %add3A_79 = vector.broadcast %broadcast_in_dim3A_78 : vector<1x128xf32> to vector<10000x128xf32>
    %add3A_80 = arith.addf %div3A_77, %add3A_79 : vector<10000x128xf32>
    %max3A_81 = arith.constant 0.000000e+00 : f32
    %max3A_82 = vector.broadcast %max3A_81 : f32 to vector<10000x128xf32>
    %max3A_83 = arith.maximumf %add3A_80, %max3A_82 : vector<10000x128xf32>
    %swap3A = arith.constant 0 : index
    %swap3A_84 = arith.constant 0 : index
    %swap3A_85 = vector.load %arg9[%swap3A, %swap3A_84] : memref<10000x128xf32, #tpu.memory_space<vmem>>, vector<10000x128xf32>
    tpu.vector_store %arg9[%swap3A, %swap3A_84], %max3A_83 {strides = array<i32>} : memref<10000x128xf32, #tpu.memory_space<vmem>>, vector<10000x128xf32>,
    return
  }
}

module attributes {stable_mosaic.version = 14 : i64} {
  func.func @_combine_body(%arg0: memref<10000x128xf32, #tpu.memory_space<vmem>>, %arg1: memref<2x10240x64xf32, #tpu.memory_space<vmem>>, %arg2: memref<32x10240xf32, #tpu.memory_space<vmem>>, %arg3: memref<128x256xf32, #tpu.memory_space<vmem>>, %arg4: memref<128xf32, #tpu.memory_space<vmem>>, %arg5: memref<128xf32, #tpu.memory_space<vmem>>, %arg6: memref<128xf32, #tpu.memory_space<vmem>>, %arg7: memref<128x128xf32, #tpu.memory_space<vmem>>, %arg8: memref<128xf32, #tpu.memory_space<vmem>>, %arg9: memref<128xf32, #tpu.memory_space<vmem>>, %arg10: memref<128xf32, #tpu.memory_space<vmem>>, %arg11: memref<10000x128xf32, #tpu.memory_space<vmem>>) attributes {dimension_semantics = [], scalar_prefetch = 0 : i64, scratch_operands = 0 : i64, tpu.core_type = #tpu.core_type<tc>} {
    %get3A = arith.constant 0 : index
    %get3A_0 = arith.constant 0 : index
    %get3A_1 = arith.constant 0 : index
    %get3A_2 = vector.load %arg1[%get3A, %get3A_0, %get3A_1] : memref<2x10240x64xf32, #tpu.memory_space<vmem>>, vector<1x10000x64xf32>
    %get3A_3 = vector.shape_cast %get3A_2 : vector<1x10000x64xf32> to vector<10000x64xf32>
    %get3A_4 = arith.constant 1 : index
    %get3A_5 = arith.constant 0 : index
    %get3A_6 = arith.constant 0 : index
    %get3A_7 = vector.load %arg1[%get3A_4, %get3A_5, %get3A_6] : memref<2x10240x64xf32, #tpu.memory_space<vmem>>, vector<1x10000x64xf32>
    %get3A_8 = vector.shape_cast %get3A_7 : vector<1x10000x64xf32> to vector<10000x64xf32>
    %get3A_9 = arith.constant 0 : index
    %get3A_10 = arith.constant 0 : index
    %get3A_11 = vector.load %arg2[%get3A_9, %get3A_10] : memref<32x10240xf32, #tpu.memory_space<vmem>>, vector<32x10000xf32>
    %reduce_sum3A = arith.constant dense<0.000000e+00> : vector<10000xf32>
    %reduce_sum3A_12 = vector.multi_reduction <add>, %get3A_11, %reduce_sum3A [0] : vector<32x10000xf32> to vector<10000xf32>
    %mul3A = arith.constant 5.000000e-01 : f32
    %mul3A_13 = vector.broadcast %mul3A : f32 to vector<10000xf32>
    %mul3A_14 = arith.mulf %reduce_sum3A_12, %mul3A_13 : vector<10000xf32>
    %broadcast_in_dim3A = vector.shape_cast %mul3A_14 : vector<10000xf32> to vector<10000x1xf32>
    %max3A = arith.constant 1.000000e+00 : f32
    %max3A_15 = vector.broadcast %max3A : f32 to vector<10000x1xf32>
    %max3A_16 = arith.maximumf %broadcast_in_dim3A, %max3A_15 : vector<10000x1xf32>
    %div3A = arith.constant 1.000000e+00 : f32
    %div3A_17 = vector.broadcast %div3A : f32 to vector<10000x1xf32>
    %div3A_18 = arith.divf %div3A_17, %max3A_16 : vector<10000x1xf32>
    %get3A_19 = arith.constant 0 : index
    %get3A_20 = arith.constant 0 : index
    %get3A_21 = vector.load %arg0[%get3A_19, %get3A_20] : memref<10000x128xf32, #tpu.memory_space<vmem>>, vector<10000x128xf32>
    %get3A_22 = arith.constant 0 : index
    %get3A_23 = arith.constant 0 : index
    %get3A_24 = vector.load %arg3[%get3A_22, %get3A_23] : memref<128x256xf32, #tpu.memory_space<vmem>>, vector<128x256xf32>
    %slice3A = vector.extract_strided_slice %get3A_24 {offsets = [0, 0], sizes = [128, 128], strides = [1, 1]} : vector<128x256xf32> to vector<128x128xf32>
    %dot_general3A = arith.constant dense<0.000000e+00> : vector<10000x128xf32>
    %dot_general3A_25 = tpu.matmul %get3A_21, %slice3A, %dot_general3A {dimension_numbers = #tpu.dot_dimension_numbers<[1], [1], [0], [0], [0, 0, 1, 0], [], []>, transpose_lhs_hint = false} : vector<10000x128xf32>, vector<128x128xf32>, vector<10000x128xf32> -> vector<10000x128xf32>
    %mul3A_26 = vector.broadcast %div3A_18 : vector<10000x1xf32> to vector<10000x64xf32>
    %mul3A_27 = arith.mulf %get3A_3, %mul3A_26 : vector<10000x64xf32>
    %slice3A_28 = vector.extract_strided_slice %get3A_24 {offsets = [0, 128], sizes = [128, 64], strides = [1, 1]} : vector<128x256xf32> to vector<128x64xf32>
    %dot_general3A_29 = arith.constant dense<0.000000e+00> : vector<10000x128xf32>
    %dot_general3A_30 = tpu.matmul %mul3A_27, %slice3A_28, %dot_general3A_29 {dimension_numbers = #tpu.dot_dimension_numbers<[1], [1], [0], [0], [0, 0, 1, 0], [], []>, transpose_lhs_hint = false} : vector<10000x64xf32>, vector<128x64xf32>, vector<10000x128xf32> -> vector<10000x128xf32>
    %add3A = arith.addf %dot_general3A_25, %dot_general3A_30 : vector<10000x128xf32>
    %mul3A_31 = vector.broadcast %div3A_18 : vector<10000x1xf32> to vector<10000x64xf32>
    %mul3A_32 = arith.mulf %get3A_8, %mul3A_31 : vector<10000x64xf32>
    %slice3A_33 = vector.extract_strided_slice %get3A_24 {offsets = [0, 192], sizes = [128, 64], strides = [1, 1]} : vector<128x256xf32> to vector<128x64xf32>
    %dot_general3A_34 = arith.constant dense<0.000000e+00> : vector<10000x128xf32>
    %dot_general3A_35 = tpu.matmul %mul3A_32, %slice3A_33, %dot_general3A_34 {dimension_numbers = #tpu.dot_dimension_numbers<[1], [1], [0], [0], [0, 0, 1, 0], [], []>, transpose_lhs_hint = false} : vector<10000x64xf32>, vector<128x64xf32>, vector<10000x128xf32> -> vector<10000x128xf32>
    %add3A_36 = arith.addf %add3A, %dot_general3A_35 : vector<10000x128xf32>
    %get3A_37 = arith.constant 0 : index
    %get3A_38 = vector.load %arg4[%get3A_37] : memref<128xf32, #tpu.memory_space<vmem>>, vector<128xf32>
    %broadcast_in_dim3A_39 = vector.shape_cast %get3A_38 : vector<128xf32> to vector<1x128xf32>
    %add3A_40 = vector.broadcast %broadcast_in_dim3A_39 : vector<1x128xf32> to vector<10000x128xf32>
    %add3A_41 = arith.addf %add3A_36, %add3A_40 : vector<10000x128xf32>
    %get3A_42 = arith.constant 0 : index
    %get3A_43 = vector.load %arg5[%get3A_42] : memref<128xf32, #tpu.memory_space<vmem>>, vector<128xf32>
    %get3A_44 = arith.constant 0 : index
    %get3A_45 = vector.load %arg6[%get3A_44] : memref<128xf32, #tpu.memory_space<vmem>>, vector<128xf32>
    %reduce_sum3A_46 = arith.constant dense<0.000000e+00> : vector<128xf32>
    %reduce_sum3A_47 = vector.multi_reduction <add>, %add3A_41, %reduce_sum3A_46 [0] : vector<10000x128xf32> to vector<128xf32>
    %broadcast_in_dim3A_48 = vector.shape_cast %reduce_sum3A_47 : vector<128xf32> to vector<1x128xf32>
    %div3A_49 = arith.constant 1.000000e+04 : f32
    %div3A_50 = vector.broadcast %div3A_49 : f32 to vector<1x128xf32>
    %div3A_51 = arith.divf %broadcast_in_dim3A_48, %div3A_50 : vector<1x128xf32>
    %sub3A = vector.broadcast %div3A_51 : vector<1x128xf32> to vector<10000x128xf32>
    %sub3A_52 = arith.subf %add3A_41, %sub3A : vector<10000x128xf32>
    %integer_pow3A = arith.mulf %sub3A_52, %sub3A_52 : vector<10000x128xf32>
    %reduce_sum3A_53 = arith.constant dense<0.000000e+00> : vector<128xf32>
    %reduce_sum3A_54 = vector.multi_reduction <add>, %integer_pow3A, %reduce_sum3A_53 [0] : vector<10000x128xf32> to vector<128xf32>
    %broadcast_in_dim3A_55 = vector.shape_cast %reduce_sum3A_54 : vector<128xf32> to vector<1x128xf32>
    %div3A_56 = arith.constant 1.000000e+04 : f32
    %div3A_57 = vector.broadcast %div3A_56 : f32 to vector<1x128xf32>
    %div3A_58 = arith.divf %broadcast_in_dim3A_55, %div3A_57 : vector<1x128xf32>
    %sub3A_59 = vector.broadcast %div3A_51 : vector<1x128xf32> to vector<10000x128xf32>
    %sub3A_60 = arith.subf %add3A_41, %sub3A_59 : vector<10000x128xf32>
    %broadcast_in_dim3A_61 = vector.shape_cast %get3A_43 : vector<128xf32> to vector<1x128xf32>
    %mul3A_62 = vector.broadcast %broadcast_in_dim3A_61 : vector<1x128xf32> to vector<10000x128xf32>
    %mul3A_63 = arith.mulf %mul3A_62, %sub3A_60 : vector<10000x128xf32>
    %add3A_64 = arith.constant 9.99999974E-6 : f32
    %add3A_65 = vector.broadcast %add3A_64 : f32 to vector<1x128xf32>
    %add3A_66 = arith.addf %div3A_58, %add3A_65 : vector<1x128xf32>
    %sqrt3A = math.sqrt %add3A_66 : vector<1x128xf32>
    %div3A_67 = vector.broadcast %sqrt3A : vector<1x128xf32> to vector<10000x128xf32>
    %div3A_68 = arith.divf %mul3A_63, %div3A_67 : vector<10000x128xf32>
    %broadcast_in_dim3A_69 = vector.shape_cast %get3A_45 : vector<128xf32> to vector<1x128xf32>
    %add3A_70 = vector.broadcast %broadcast_in_dim3A_69 : vector<1x128xf32> to vector<10000x128xf32>
    %add3A_71 = arith.addf %div3A_68, %add3A_70 : vector<10000x128xf32>
    %max3A_72 = arith.constant 0.000000e+00 : f32
    %max3A_73 = vector.broadcast %max3A_72 : f32 to vector<10000x128xf32>
    %max3A_74 = arith.maximumf %add3A_71, %max3A_73 : vector<10000x128xf32>
    %get3A_75 = arith.constant 0 : index
    %get3A_76 = arith.constant 0 : index
    %get3A_77 = vector.load %arg7[%get3A_75, %get3A_76] : memref<128x128xf32, #tpu.memory_space<vmem>>, vector<128x128xf32>
    %dot_general3A_78 = arith.constant dense<0.000000e+00> : vector<10000x128xf32>
    %dot_general3A_79 = tpu.matmul %max3A_74, %get3A_77, %dot_general3A_78 {dimension_numbers = #tpu.dot_dimension_numbers<[1], [1], [0], [0], [0, 0, 1, 0], [], []>, transpose_lhs_hint = false} : vector<10000x128xf32>, vector<128x128xf32>, vector<10000x128xf32> -> vector<10000x128xf32>
    %get3A_80 = arith.constant 0 : index
    %get3A_81 = vector.load %arg8[%get3A_80] : memref<128xf32, #tpu.memory_space<vmem>>, vector<128xf32>
    %broadcast_in_dim3A_82 = vector.shape_cast %get3A_81 : vector<128xf32> to vector<1x128xf32>
    %add3A_83 = vector.broadcast %broadcast_in_dim3A_82 : vector<1x128xf32> to vector<10000x128xf32>
    %add3A_84 = arith.addf %dot_general3A_79, %add3A_83 : vector<10000x128xf32>
    %get3A_85 = arith.constant 0 : index
    %get3A_86 = vector.load %arg9[%get3A_85] : memref<128xf32, #tpu.memory_space<vmem>>, vector<128xf32>
    %get3A_87 = arith.constant 0 : index
    %get3A_88 = vector.load %arg10[%get3A_87] : memref<128xf32, #tpu.memory_space<vmem>>, vector<128xf32>
    %reduce_sum3A_89 = arith.constant dense<0.000000e+00> : vector<128xf32>
    %reduce_sum3A_90 = vector.multi_reduction <add>, %add3A_84, %reduce_sum3A_89 [0] : vector<10000x128xf32> to vector<128xf32>
    %broadcast_in_dim3A_91 = vector.shape_cast %reduce_sum3A_90 : vector<128xf32> to vector<1x128xf32>
    %div3A_92 = arith.constant 1.000000e+04 : f32
    %div3A_93 = vector.broadcast %div3A_92 : f32 to vector<1x128xf32>
    %div3A_94 = arith.divf %broadcast_in_dim3A_91, %div3A_93 : vector<1x128xf32>
    %sub3A_95 = vector.broadcast %div3A_94 : vector<1x128xf32> to vector<10000x128xf32>
    %sub3A_96 = arith.subf %add3A_84, %sub3A_95 : vector<10000x128xf32>
    %integer_pow3A_97 = arith.mulf %sub3A_96, %sub3A_96 : vector<10000x128xf32>
    %reduce_sum3A_98 = arith.constant dense<0.000000e+00> : vector<128xf32>
    %reduce_sum3A_99 = vector.multi_reduction <add>, %integer_pow3A_97, %reduce_sum3A_98 [0] : vector<10000x128xf32> to vector<128xf32>
    %broadcast_in_dim3A_100 = vector.shape_cast %reduce_sum3A_99 : vector<128xf32> to vector<1x128xf32>
    %div3A_101 = arith.constant 1.000000e+04 : f32
    %div3A_102 = vector.broadcast %div3A_101 : f32 to vector<1x128xf32>
    %div3A_103 = arith.divf %broadcast_in_dim3A_100, %div3A_102 : vector<1x128xf32>
    %sub3A_104 = vector.broadcast %div3A_94 : vector<1x128xf32> to vector<10000x128xf32>
    %sub3A_105 = arith.subf %add3A_84, %sub3A_104 : vector<10000x128xf32>
    %broadcast_in_dim3A_106 = vector.shape_cast %get3A_86 : vector<128xf32> to vector<1x128xf32>
    %mul3A_107 = vector.broadcast %broadcast_in_dim3A_106 : vector<1x128xf32> to vector<10000x128xf32>
    %mul3A_108 = arith.mulf %mul3A_107, %sub3A_105 : vector<10000x128xf32>
    %add3A_109 = arith.constant 9.99999974E-6 : f32
    %add3A_110 = vector.broadcast %add3A_109 : f32 to vector<1x128xf32>
    %add3A_111 = arith.addf %div3A_103, %add3A_110 : vector<1x128xf32>
    %sqrt3A_112 = math.sqrt %add3A_111 : vector<1x128xf32>
    %div3A_113 = vector.broadcast %sqrt3A_112 : vector<1x128xf32> to vector<10000x128xf32>
    %div3A_114 = arith.divf %mul3A_108, %div3A_113 : vector<10000x128xf32>
    %broadcast_in_dim3A_115 = vector.shape_cast %get3A_88 : vector<128xf32> to vector<1x128xf32>
    %add3A_116 = vector.broadcast %broadcast_in_dim3A_115 : vector<1x128xf32> to vector<10000x128xf32>
    %add3A_117 = arith.addf %div3A_114, %add3A_116 : vector<10000x128xf32>
    %max3A_118 = arith.constant 0.000000e+00 : f32
    %max3A_119 = vector.broadcast %max3A_118 : f32 to vector<10000x128xf32>
    %max3A_120 = arith.maximumf %add3A_117, %max3A_119 : vector<10000x128xf32>
    %swap3A = arith.constant 0 : index
    %swap3A_121 = arith.constant 0 : index
    %swap3A_122 = vector.load %arg11[%swap3A, %swap3A_121] : memref<10000x128xf32, #tpu.memory_space<vmem>>, vector<10000x128xf32>
    tpu.vector_store %arg11[%swap3A, %swap3A_121], %max3A_120 {strides = array<i32>} : memref<10000x128xf32, #tpu.memory_space<vmem>>, vector<10000x128xf32>,
    return
  }
}

</mosaic_0001>

<sc_bundles>
// kernel: kernel.6.cloned.1.call-start
scs
__scs_entry_jumppad:
0x0: {  	(pc) =	sbr.rel $0x88, $3  }
0x1: {  	(tag) =	ssettag $0x0;
	lr =	simm.s32 $0x1  }
0x2: {  	[smem:$0x3F87] =	sst lr;
	_ =	strace $0xD0000000  }
0x3: {  	_ = 	snop  }
0x4: {  	_ = 	snop  }
0x5: {  	_ = 	snop  }
0x6: {  	_ = 	snop  }
0x7: {  	_ = 	snop  }
__scs_overlays_trampoline_lowered:
0x8: {  	[smem:$0x3F96] =	sst s0  }
0x9: {  	[smem:$0x3F97] =	sst s1  }
0xa: {  	[smem:$0x3F98] =	sst s2  }
0xb: {  	[smem:$0x3F99] =	sst s3  }
0xc: {  	[smem:$0x3F9A] =	sst s4  }
0xd: {  	[smem:$0x3F9B] =	sst s5  }
0xe: {  	[smem:$0x3F9C] =	sst s6  }
0xf: {  	[smem:$0x3F9D] =	sst s7  }
0x10: {  	[smem:$0x3F9E] =	sst s8  }
0x11: {  	[smem:$0x3F9F] =	sst s9;
	s0 =	simm.s32 @!p0 $0x0  }
0x12: {  	s1 =	sld [smem:$0x3F85];
	s0 =	simm.s32 @p0 $0x1  }
0x13: {  	[smem:$0x3FA0] =	sst s0;
	s0 =	simm.s32 @!p1 $0x0  }
0x14: {  	s2 =	sld [smem:$0x3F84];
	s0 =	simm.s32 @p1 $0x1  }
0x15: {  	[smem:$0x3FA1] =	sst s0;
	s0 =	simm.s32 @!p2 $0x0  }
0x16: {  	s3 =	sld [smem:$0x3FDB];
	s0 =	simm.s32 @p2 $0x1  }
0x17: {  	s4 =	simm.s32 $0x1BF5;
	[smem:$0x3FA3] =	sst s0  }
0x18: {  	s0 =	sld [smem:$0x3F86];
	_ =	swait.ge [sflag:s4], $0x0  }
0x19: {  	s7 =	sld [smem:$0x3F87]  }
0x1a: {  	s8 =	sadd.s32 $0xFFFFE003, lr  }
0x1b: {  	s9 =	sadd.s32 $0xFFFFFEF7, lr;
	s5 =	simm.s32 $0xFFFFFFFF;
	p2 =	slt.u32 s8, $0xFFFFF086  }
0x1c: {  	p1 =	slt.u32 s9, $0xF7A;
	s5 =	simm.s32 @!p2 $0x0  }
0x1d: {  	s5 =	simm.s32 @p1 $0x1;
	p0 =	seq.s32 s7, s2  }
0x1e: {  	s7 =	smul.u32 @!p0 $0xF7A, s2;
	p2 =	seq.s32 @!p0 s5, $0x0  }
0x1f: {  	s9 =	smul.u32 $0xF7A, s1;
	s8 =	simm.s32 @!p0 $0x1BF5;
	p2 =	por !p2, p0  }
0x20: {  	[sflag:s8] =	ssyncset.s32 @!p0 $0xFFFFF086;
	s6 =	sadd.s32 @!p0 s3, s7;
	s7 =	simm.s32 @!p0 $0x108  }
0x21: {  	s3 =	sadd.s32 s3, s9;
	s6 =	sadd.s32 @!p0 $0x88, s6;
	s7 =	simm.s32 @p2 $0x1082  }
0x22: {  	[simem:s7], [sflag:s8] =	dma.local @!p0 [hbm:s6], $0xF7A  }
0x23: {  	s9 =	sor.u32 $0xD0000000, s2;
	s6 =	simm.s32 $0x108;
	_ =	swait.ge @!p0 [sflag:s8], $0x0  }
0x24: {  	s3 =	sadd.s32 $0x88, s3;
	s6 =	simm.s32 @!p1 $0x1082;
	[sflag:s4] =	ssyncset.s32 $0xFFFFF086  }
0x25: {  	[simem:s6], [sflag:s4] =	dma.local [hbm:s3], $0xF7A  }
0x26: {  	[smem:$0x3F87] =	sst s1;
	(tag) =	ssettag s2;
	_ =	strace s9  }
0x27: {  	s1 =	sld [smem:$0x3F97]  }
0x28: {  	s2 =	sld [smem:$0x3F98]  }
0x29: {  	s4 =	sld [smem:$0x3F9A]  }
0x2a: {  	p0 =	seq.s32 s5, $0x0;
	s5 =	sld [smem:$0x3F9B]  }
0x2b: {  	s6 =	sld [smem:$0x3F9C]  }
0x2c: {  	s7 =	sld [smem:$0x3F9D]  }
0x2d: {  	s3 =	simm.s32 $0x108;
	s8 =	sld [smem:$0x3F9E]  }
0x2e: {  	s3 =	simm.s32 @!p0 $0x1082;
	s9 =	sld [smem:$0x3F9F]  }
0x2f: {  	lr =	sadd.s32 s0, s3;
	s0 =	sld [smem:$0x3F96]  }
0x30: {  	s3 =	sld [smem:$0x3F99]  }
0x31: {  	[smem:$0x3FA2] =	sst s10  }
0x32: {  	s10 =	sld [smem:$0x3FA0];
	_ =	sdelay $0x3  }
0x33: {  	p0 =	seq.s32 s10, $0x1;
	s10 =	sld [smem:$0x3FA2];
	_ =	sdelay $0x3  }
0x34: {  	[smem:$0x3FA2] =	sst s10  }
0x35: {  	s10 =	sld [smem:$0x3FA1];
	_ =	sdelay $0x3  }
0x36: {  	p1 =	seq.s32 s10, $0x1;
	s10 =	sld [smem:$0x3FA2];
	_ =	sdelay $0x3  }
0x37: {  	[smem:$0x3FA2] =	sst s10  }
0x38: {  	s10 =	sld [smem:$0x3FA3]  }
0x39: {  	_ = 	snop;
	(pc) =	sbr.ind lr, $3  }
0x3a: {  	_ = 	snop  }
0x3b: {  	_ = 	snop  }
0x3c: {  	p2 =	seq.s32 s10, $0x1;
	s10 =	sld [smem:$0x3FA2]  }
0x3d: {  	_ =	shalt  }
0x3e: {  	_ =	shalt  }
0x3f: {  	_ =	shalt  }
0x40: {  	_ =	shalt  }
0x41: {  	_ =	shalt  }
0x42: {  	_ =	shalt  }
0x43: {  	_ =	shalt  }
0x44: {  	_ =	shalt  }
0x45: {  	_ =	shalt  }
0x46: {  	_ =	shalt  }
0x47: {  	_ =	shalt  }
0x48: {  	_ =	shalt  }
0x49: {  	_ =	shalt  }
0x4a: {  	_ =	shalt  }
0x4b: {  	_ =	shalt  }
0x4c: {  	_ =	shalt  }
0x4d: {  	_ =	shalt  }
0x4e: {  	_ =	shalt  }
0x4f: {  	_ =	shalt  }
0x50: {  	_ =	shalt  }
0x51: {  	_ =	shalt  }
0x52: {  	_ =	shalt  }
0x53: {  	_ =	shalt  }
0x54: {  	_ =	shalt  }
0x55: {  	_ =	shalt  }
0x56: {  	_ =	shalt  }
0x57: {  	_ =	shalt  }
0x58: {  	_ =	shalt  }
0x59: {  	_ =	shalt  }
0x5a: {  	_ =	shalt  }
0x5b: {  	_ =	shalt  }
0x5c: {  	_ =	shalt  }
0x5d: {  	_ =	shalt  }
0x5e: {  	_ =	shalt  }
0x5f: {  	_ =	shalt  }
0x60: {  	_ =	shalt  }
0x61: {  	_ =	shalt  }
0x62: {  	_ =	shalt  }
0x63: {  	_ =	shalt  }
0x64: {  	_ =	shalt  }
0x65: {  	_ =	shalt  }
0x66: {  	_ =	shalt  }
0x67: {  	_ =	shalt  }
0x68: {  	_ =	shalt  }
0x69: {  	_ =	shalt  }
0x6a: {  	_ =	shalt  }
0x6b: {  	_ =	shalt  }
0x6c: {  	_ =	shalt  }
0x6d: {  	_ =	shalt  }
0x6e: {  	_ =	shalt  }
0x6f: {  	_ =	shalt  }
0x70: {  	_ =	shalt  }
0x71: {  	_ =	shalt  }
0x72: {  	_ =	shalt  }
0x73: {  	_ =	shalt  }
0x74: {  	_ =	shalt  }
0x75: {  	_ =	shalt  }
0x76: {  	_ =	shalt  }
0x77: {  	_ =	shalt  }
0x78: {  	_ =	shalt  }
0x79: {  	_ =	shalt  }
0x7a: {  	_ =	shalt  }
0x7b: {  	_ =	shalt  }
0x7c: {  	_ =	shalt  }
0x7d: {  	_ =	shalt  }
0x7e: {  	_ =	shalt  }
0x7f: {  	_ =	shalt  }
0x80: {  	_ =	shalt  }
0x81: {  	_ =	shalt  }
0x82: {  	_ =	shalt  }
0x83: {  	_ =	shalt  }
0x84: {  	_ =	shalt  }
0x85: {  	_ =	shalt  }
0x86: {  	_ =	shalt  }
0x87: {  	_ =	shalt  }
.Lfunc_end0:
.L_simem_size_0:
called_computation_lowered:
.L_overlay_start_0:
0x88: {  	s2 =	sld [smem:$0x3FD9]  }
0x89: {  	s3 =	sld [smem:$0x3FFE];
	_ =	sdelay $0x1  }
0x8a: {  	s1 =	srdreg.scid  }
0x8b: {  	s0 =	sand.u32 $0x1, s1  }
0x8c: {  	s17 =	sshll.u32 s0, $0xA;
	s2 =	sadd.s32 s3, s2  }
0x8d: {  	s2 =	sadd.s32 s2, s17  }
0x8e: {  	[smem:$0x3FAE] =	sst s2  }
0x8f: {  	_ = 	snop  }
0x90: {  	s2 =	sld [smem:$0x3FD0];
	(tm) =	ssettm $0x1  }
0x91: {  	s18 =	sld [smem:$0x3FFB];
	_ =	sdelay $0x3  }
0x92: {  	_ =	strace s18  }
0x93: {  	s3 =	sld [smem:$0x3FFC];
	_ =	sdelay $0x3  }
0x94: {  	_ =	strace s3  }
0x95: {  	s3 =	sld [smem:$0x3FFD];
	_ =	sdelay $0x3  }
0x96: {  	_ =	strace s3  }
0x97: {  	_ =	strace $0x8FFFFFFF  }
0x98: {  	s19 =	sld [smem:$0x3FDB];
	_ =	sdelay $0x1  }
0x99: {  	s4 =	simm.s32 $_scs_section_size  }
0x9a: {  	s5 =	simm.s32 $_size__tile_overlayer_lowered;
	s6 =	simm.s32 $_tile_overlayer_lowered  }
0x9b: {  	s22 =	simm.s32 $0x1BFF;
	s21 =	sshll.u32 s6, $0x1;
	s3 =	sadd.s32 s4, s19  }
0x9c: {  	s7 =	simm.s32 $0x0;
	s20 =	sshll.u32 s5, $0x1;
	s5 =	sadd.s32 s21, s3  }
0x9d: {  	[timem:s7], [sflag:s22] =	dma.local [hbm:s5], s20  }
0x9e: {  	_ =	swait.ge [sflag:s22], s20  }
0x9f: {  	s4 =	ssub.s32 $0x0, s20;
	[sflag:s22] =	ssyncset.done $0x0  }
0xa0: {  	[sflag:s22] =	ssyncadd.s32 s4;
	_ =	sdelay $0x1  }
0xa1: {  	s23 =	simm.s32 $0x1B8B  }
0xa2: {  	_ =	swait.ge [sflag:s23], $0x1  }
0xa3: {  	[sflag:s23] =	ssyncset.done $0x0  }
0xa4: {  	s25 =	simm.s32 $0x1B8E;
	s24 =	sld [smem:$0x3FFE];
	[sflag:s23] =	ssyncadd.s32 $0xFFFFFFFF  }
0xa5: {  	s26 =	simm.s32 $execute0_lowered;
	[smem:$0x3FD2] =	sst s25  }
0xa6: {  	s5 =	sshll.u32 s26, $0x1;
	_ =	strace $0x80000046;
	[dreg:$0x1] =	wrdreg $0xFFFFFFFF  }
0xa7: {  	s28 =	simm.s32 $_size_execute0_lowered;
	s3 =	sadd.s32 s3, s5;
	[dreg:$0x0] =	wrdreg $0x0  }
0xa8: {  	s5 =	sshll.u32 s28, $0x1;
	[dreg:$0x2] =	wrdreg s3  }
0xa9: {  	[dreg:$0x3] =	wrdreg s5  }
0xaa: {  	[dreg:$0x4] =	wrdreg $0xC0  }
0xab: {  	_ =	task [dreg:s7], $0x5FFFF  }
0xac: {  	[dreg:$0x1] =	wrdreg $0xFFFFFFFF  }
0xad: {  	[dreg:$0x0] =	wrdreg $0x60  }
0xae: {  	[dreg:$0x2] =	wrdreg s2  }
0xaf: {  	[dreg:$0x3] =	wrdreg s24  }
0xb0: {  	[dreg:$0x4] =	wrdreg $0x128400  }
0xb1: {  	[dreg:$0x5] =	wrdreg $0x9  }
0xb2: {  	_ =	task.clear_ibuf [dreg:s7], $0x6FFFF;
	_ =	strace $0x90000046  }
0xb3: {  	s29 =	simm.s32 $0x9;
	_ =	strace $0x80000048  }
0xb4: {  	_ =	swait.ge [sflag:s29], $0x1  }
0xb5: {  	[sflag:s29] =	ssyncadd.s32 $0xFFFFFFFF  }
0xb6: {  	_ =	strace $0x90000048  }
0xb7: {  	_ =	sfence  }
0xb8: {  	s30 =	sld [smem:$0x0];
	_ =	sdelay $0x2  }
0xb9: {  	s31 =	sshll.u32 s1, $0xD;
	s1 =	sshrl.u32 s1, $0x2  }
0xba: {  	s3 =	sand.u32 $0x4000, s31;
	s1 =	sadd.s32 s1, s30  }
0xbb: {  	s0 =	sor.u32 s3, s0;
	s1 =	sshll.u32 s1, $0x11  }
0xbc: {  	s0 =	sor.u32 s1, s0  }
0xbd: {  	s0 =	sadd.s32 $0x8F2B, s0  }
0xbe: {  	[sflag:s0] =	ssyncadd.remote.s32 $0x1  }
0xbf: {  	_ =	sfence.sel $0xFFFF  }
0xc0: {  	[dreg:$0x0] =	wrdreg $0xFFFFFFFF;
	(pc) =	sbr.abs _section_cstart, $3  }
0xc1: {  	[dreg:$0x1] =	wrdreg $0xFFFFFFFF  }
0xc2: {  	_ =	task.clear_ibuf [dreg:s7], $0x2FFFF;
	_ =	strace $0x9FFFFFFF  }
0xc3: {  	(tm) =	ssettm $0x7FFFFFFF  }
tec
execute0_lowered:
.L_overlay_start_1:
0x0: {  	(tag) =	ssettag $0x1  }
0x1: {  	s0 =	rddreg [dreg:$0x0]  }
0x2: {  	s6 =	rddreg [dreg:$0x1]  }
0x3: {  	s2 =	rddreg [dreg:$0x2]  }
0x4: {  	s1 =	stileid.u32;
	s5 =	srdreg.scid  }
0x5: {  	s3 =	simm.s32 $0x0;
	s17 =	simm.s32 $0x50;
	s18 =	simm.s32 $0x9C40  }
0x6: {  	s19 =	simm.s32 $0xB040;
	s20 =	simm.s32 $0xA0;
	s21 =	simm.s32 $0xC440  }
0x7: {  	s22 =	simm.s32 $0xF0;
	s23 =	simm.s32 $0xD840;
	s24 =	simm.s32 $0x140  }
0x8: {  	s25 =	simm.s32 $0xEC40;
	s26 =	simm.s32 $0x1;
	s4 =	smul.u32 $0x4E20, s1  }
0x9: {  	s28 =	simm.s32 $0x0;
	s7 =	sand.u32 $0x1, s5;
	s8 =	smul.u32 $0xA000, s1  }
0xa: {  	[smem:$0x7FF] =	sst s3;
	s9 =	sshll.u32 s1, $0x1;
	s13 =	sshll.u32 s1, $0x6  }
0xb: {  	s5 =	smul.u32 $0xA0000, s7;
	_ =	strace $0x80000047;
	s9 =	sor.u32 s7, s9  }
0xc: {  	s30 =	ssub.s32 $0x2, s7;
	s14 =	smul.u32 $0x13880, s7;
	s4 =	sshrl.u32 s4, $0x3  }
0xd: {  	s9 =	smul.u32 $0x500, s9;
	s31 =	sshrl.u32 s30, $0x1;
	s16 =	sadd.s32 s8, s2  }
0xe: {  	s10 =	sadd.s32 s4, s6;
	s11 =	sadd.s32 s8, s5;
	s4 =	sadd.s32 $0x17800, s6  }
0xf: {  	s5 =	sadd.s32 $0x18C00, s6;
	s15 =	ssub.s32 s30, s31;
	s11 =	sshrl.u32 s11, $0x3  }
0x10: {  	s12 =	sadd.s32 s9, s6;
	s7 =	sadd.s32 $0x3E00, s10;
	s8 =	sadd.s32 $0xDA40, s10  }
0x11: {  	s9 =	sadd.s32 s0, s14;
	s14 =	simm.s32 $0x2;
	s11 =	sadd.s32 s11, s6  }
0x12: {  	s6 =	sor.u32 $0x1C02, s13;
	s13 =	sshrl.u32 s16, $0x3;
	s10 =	sadd.s32 $0x19200, s11  }
0x13: {  	v0 =	vimm.f32 $1.000000000e+00;
	s11 =	sadd.s32 $0x41200, s12;
	s12 =	smax.u32 s15, $0x1;
	s15 =	simm.s32 $0x10040  }
.LBB2_1:
0x14: {  	[spmem:s13], [sflag:s6] =	dma.local [hbm:s4], $0x1400  }
0x15: {  	_ =	swait.ge [sflag:s14], $0x1400  }
0x16: {  	[sflag:s14] =	ssyncset.done $0x0  }
0x17: {  	[sflag:s14] =	ssyncadd.s32 $0xFFFFEC00  }
0x18: {  	[tilespmem:s15], [sflag:$0x2] =	stream.linear.gather [hbm4b:s5+s3], $0x2800, $0x38;
	[tilespmem:$0x1C840] =	vst v63  }
0x19: {  	_ =	swait.ge [sflag:s14], $0x2800  }
0x1a: {  	[sflag:s14] =	ssyncset.done $0x0  }
0x1b: {  	[sflag:s14] =	ssyncadd.s32 $0xFFFFD800  }
0x1c: {  	[tilespmem:s3], [sflag:$0x2] =	stream.linear.gather [hbm4b:s7+s3], $0x4E20, $0x38;
	[tilespmem:$0x1C840] =	vst v63  }
0x1d: {  	_ =	swait.ge [sflag:s14], $0x4E20  }
0x1e: {  	[sflag:s14] =	ssyncset.done $0x0  }
0x1f: {  	s0 =	simm.s32 $0x4E20;
	[sflag:s14] =	ssyncadd.s32 $0xFFFFB1E0  }
0x20: {  	[tilespmem:s0], [sflag:$0x2] =	stream.linear.gather [hbm4b:s8+s3], $0x4E20, $0x38;
	[tilespmem:$0x1C840] =	vst v63  }
0x21: {  	_ =	swait.ge [sflag:s14], $0x4E20  }
0x22: {  	[sflag:s14] =	ssyncset.done $0x0  }
0x23: {  	[sflag:s14] =	ssyncadd.s32 $0xFFFFB1E0  }
0x24: {  	[bflag:$0x0] =	sbarrier.arrive $0xFFFF  }
0x25: {  	[tilespmem:s18], [sflag:$0x1] =	stream.indirect.gather [hbm4b:s9+s17], $0x40, s3, s17, $0xb8;
	[tilespmem:$0x1C840] =	vst v63  }
0x26: {  	_ = 	snop  }
0x27: {  	[tilespmem:s19], [sflag:$0x1] =	stream.indirect.gather [hbm4b:s9+s17], $0x40, s17, s17, $0xb8;
	[tilespmem:$0x1C840] =	vst v63  }
0x28: {  	_ = 	snop  }
0x29: {  	[tilespmem:s21], [sflag:$0x1] =	stream.indirect.gather [hbm4b:s9+s17], $0x40, s20, s17, $0xb8;
	[tilespmem:$0x1C840] =	vst v63  }
0x2a: {  	_ = 	snop  }
0x2b: {  	[tilespmem:s23], [sflag:$0x1] =	stream.indirect.gather [hbm4b:s9+s17], $0x40, s22, s17, $0xb8;
	[tilespmem:$0x1C840] =	vst v63  }
0x2c: {  	s29 =	simm.s32 $0x0  }
0x2d: {  	[tilespmem:s25], [sflag:$0x1] =	stream.indirect.gather [hbm4b:s9+s17], $0x40, s24, s17, $0xb8;
	[tilespmem:$0x1C840] =	vst v63  }
.LBB2_2:
0x2e: {  	_ =	swait.ge [sflag:s26], $0x1400  }
0x2f: {  	s30 =	sshra.s32 s29, $0x2;
	[sflag:s26] =	ssyncset.done $0x0  }
0x30: {  	s0 =	sadd.s32 $0x4E20, s30;
	[sflag:s26] =	ssyncadd.s32 $0xFFFFEC00  }
0x31: {  	[spmem:s2] =	stream.indirect.scatter.add.f32 [tilespmem:s18], [sflag:$0x2], $0x40, s0, s17, $0xb8;
	[tilespmem:$0x1C840] =	vst v63  }
0x32: {  	p0 =	seq.s32 s29, $0x13240;
	_ =	swait.ge [sflag:s14], $0x1400  }
0x33: {  	s31 =	sshra.s32 @!p0 s29, $0x2;
	s16 =	simm.s32 @!p0 $0x9C40;
	[sflag:s14] =	ssyncset.done $0x0  }
0x34: {  	s1 =	sadd.s32 @!p0 $0x190, s31;
	s0 =	simm.s32 @!p0 $0x50;
	[sflag:s14] =	ssyncadd.s32 $0xFFFFEC00  }
0x35: {  	[tilespmem:s16], [sflag:$0x1] =	stream.indirect.gather @!p0 [hbm4b:s9+s0], $0x40, s1, s0, $0xb8;
	[tilespmem:$0x1C840] =	vst v63  }
0x36: {  	v1 =	vld [tilespmem:s30+$0x4E20];
	_ =	sdelay $0x7  }
0x37: {  	[tilespmem:v1+s15+$0x0] =	vst.idx.add.f32.msk $0xffff, v0  }
0x38: {  	v1 =	vld [tilespmem:s30+$0x4E30];
	_ =	sdelay $0x7  }
0x39: {  	[tilespmem:v1+s15+$0x0] =	vst.idx.add.f32.msk $0xffff, v0  }
0x3a: {  	v1 =	vld [tilespmem:s30+$0x4E40];
	_ =	sdelay $0x7  }
0x3b: {  	[tilespmem:v1+s15+$0x0] =	vst.idx.add.f32.msk $0xffff, v0  }
0x3c: {  	v1 =	vld [tilespmem:s30+$0x4E50];
	_ =	sdelay $0x7  }
0x3d: {  	[tilespmem:v1+s15+$0x0] =	vst.idx.add.f32.msk $0xffff, v0  }
0x3e: {  	v1 =	vld [tilespmem:s30+$0x4E60];
	_ =	sdelay $0x7  }
0x3f: {  	[tilespmem:v1+s15+$0x0] =	vst.idx.add.f32.msk $0xffff, v0  }
0x40: {  	_ =	swait.ge [sflag:s26], $0x1400  }
0x41: {  	[sflag:s26] =	ssyncset.done $0x0  }
0x42: {  	s16 =	sadd.s32 $0x4E70, s30;
	[sflag:s26] =	ssyncadd.s32 $0xFFFFEC00  }
0x43: {  	[spmem:s2] =	stream.indirect.scatter.add.f32 [tilespmem:s19], [sflag:$0x2], $0x40, s16, s17, $0xb8;
	[tilespmem:$0x1C840] =	vst v63  }
0x44: {  	_ =	swait.ge [sflag:s14], $0x1400  }
0x45: {  	[sflag:s14] =	ssyncset.done $0x0  }
0x46: {  	s1 =	sadd.s32 @!p0 $0x1E0, s31;
	s16 =	simm.s32 @!p0 $0xB040;
	[sflag:s14] =	ssyncadd.s32 $0xFFFFEC00  }
0x47: {  	[tilespmem:s16], [sflag:$0x1] =	stream.indirect.gather @!p0 [hbm4b:s9+s0], $0x40, s1, s0, $0xb8;
	[tilespmem:$0x1C840] =	vst v63  }
0x48: {  	v1 =	vld [tilespmem:s30+$0x4E70];
	_ =	sdelay $0x7  }
0x49: {  	[tilespmem:v1+s15+$0x0] =	vst.idx.add.f32.msk $0xffff, v0  }
0x4a: {  	v1 =	vld [tilespmem:s30+$0x4E80];
	_ =	sdelay $0x7  }
0x4b: {  	[tilespmem:v1+s15+$0x0] =	vst.idx.add.f32.msk $0xffff, v0  }
0x4c: {  	v1 =	vld [tilespmem:s30+$0x4E90];
	_ =	sdelay $0x7  }
0x4d: {  	[tilespmem:v1+s15+$0x0] =	vst.idx.add.f32.msk $0xffff, v0  }
0x4e: {  	v1 =	vld [tilespmem:s30+$0x4EA0];
	_ =	sdelay $0x7  }
0x4f: {  	[tilespmem:v1+s15+$0x0] =	vst.idx.add.f32.msk $0xffff, v0  }
0x50: {  	v1 =	vld [tilespmem:s30+$0x4EB0];
	_ =	sdelay $0x7  }
0x51: {  	[tilespmem:v1+s15+$0x0] =	vst.idx.add.f32.msk $0xffff, v0  }
0x52: {  	_ =	swait.ge [sflag:s26], $0x1400  }
0x53: {  	[sflag:s26] =	ssyncset.done $0x0  }
0x54: {  	s16 =	sadd.s32 $0x4EC0, s30;
	[sflag:s26] =	ssyncadd.s32 $0xFFFFEC00  }
0x55: {  	[spmem:s2] =	stream.indirect.scatter.add.f32 [tilespmem:s21], [sflag:$0x2], $0x40, s16, s17, $0xb8;
	[tilespmem:$0x1C840] =	vst v63  }
0x56: {  	_ =	swait.ge [sflag:s14], $0x1400  }
0x57: {  	[sflag:s14] =	ssyncset.done $0x0  }
0x58: {  	s1 =	sadd.s32 @!p0 $0x230, s31;
	s16 =	simm.s32 @!p0 $0xC440;
	[sflag:s14] =	ssyncadd.s32 $0xFFFFEC00  }
0x59: {  	[tilespmem:s16], [sflag:$0x1] =	stream.indirect.gather @!p0 [hbm4b:s9+s0], $0x40, s1, s0, $0xb8;
	[tilespmem:$0x1C840] =	vst v63  }
0x5a: {  	v1 =	vld [tilespmem:s30+$0x4EC0];
	_ =	sdelay $0x7  }
0x5b: {  	[tilespmem:v1+s15+$0x0] =	vst.idx.add.f32.msk $0xffff, v0  }
0x5c: {  	v1 =	vld [tilespmem:s30+$0x4ED0];
	_ =	sdelay $0x7  }
0x5d: {  	[tilespmem:v1+s15+$0x0] =	vst.idx.add.f32.msk $0xffff, v0  }
0x5e: {  	v1 =	vld [tilespmem:s30+$0x4EE0];
	_ =	sdelay $0x7  }
0x5f: {  	[tilespmem:v1+s15+$0x0] =	vst.idx.add.f32.msk $0xffff, v0  }
0x60: {  	v1 =	vld [tilespmem:s30+$0x4EF0];
	_ =	sdelay $0x7  }
0x61: {  	[tilespmem:v1+s15+$0x0] =	vst.idx.add.f32.msk $0xffff, v0  }
0x62: {  	v1 =	vld [tilespmem:s30+$0x4F00];
	_ =	sdelay $0x7  }
0x63: {  	[tilespmem:v1+s15+$0x0] =	vst.idx.add.f32.msk $0xffff, v0  }
0x64: {  	_ =	swait.ge [sflag:s26], $0x1400  }
0x65: {  	[sflag:s26] =	ssyncset.done $0x0  }
0x66: {  	s16 =	sadd.s32 $0x4F10, s30;
	[sflag:s26] =	ssyncadd.s32 $0xFFFFEC00  }
0x67: {  	[spmem:s2] =	stream.indirect.scatter.add.f32 [tilespmem:s23], [sflag:$0x2], $0x40, s16, s17, $0xb8;
	[tilespmem:$0x1C840] =	vst v63  }
0x68: {  	_ =	swait.ge [sflag:s14], $0x1400  }
0x69: {  	[sflag:s14] =	ssyncset.done $0x0  }
0x6a: {  	s1 =	sadd.s32 @!p0 $0x280, s31;
	s16 =	simm.s32 @!p0 $0xD840;
	[sflag:s14] =	ssyncadd.s32 $0xFFFFEC00  }
0x6b: {  	[tilespmem:s16], [sflag:$0x1] =	stream.indirect.gather @!p0 [hbm4b:s9+s0], $0x40, s1, s0, $0xb8;
	[tilespmem:$0x1C840] =	vst v63  }
0x6c: {  	v1 =	vld [tilespmem:s30+$0x4F10];
	_ =	sdelay $0x7  }
0x6d: {  	[tilespmem:v1+s15+$0x0] =	vst.idx.add.f32.msk $0xffff, v0  }
0x6e: {  	v1 =	vld [tilespmem:s30+$0x4F20];
	_ =	sdelay $0x7  }
0x6f: {  	[tilespmem:v1+s15+$0x0] =	vst.idx.add.f32.msk $0xffff, v0  }
0x70: {  	v1 =	vld [tilespmem:s30+$0x4F30];
	_ =	sdelay $0x7  }
0x71: {  	[tilespmem:v1+s15+$0x0] =	vst.idx.add.f32.msk $0xffff, v0  }
0x72: {  	v1 =	vld [tilespmem:s30+$0x4F40];
	_ =	sdelay $0x7  }
0x73: {  	[tilespmem:v1+s15+$0x0] =	vst.idx.add.f32.msk $0xffff, v0  }
0x74: {  	v1 =	vld [tilespmem:s30+$0x4F50];
	_ =	sdelay $0x7  }
0x75: {  	[tilespmem:v1+s15+$0x0] =	vst.idx.add.f32.msk $0xffff, v0  }
0x76: {  	_ =	swait.ge [sflag:s26], $0x1400  }
0x77: {  	[sflag:s26] =	ssyncset.done $0x0  }
0x78: {  	s16 =	sadd.s32 $0x4F60, s30;
	[sflag:s26] =	ssyncadd.s32 $0xFFFFEC00  }
0x79: {  	[spmem:s2] =	stream.indirect.scatter.add.f32 [tilespmem:s25], [sflag:$0x2], $0x40, s16, s17, $0xb8;
	[tilespmem:$0x1C840] =	vst v63  }
0x7a: {  	_ =	swait.ge [sflag:s14], $0x1400  }
0x7b: {  	[sflag:s14] =	ssyncset.done $0x0  }
0x7c: {  	s1 =	sadd.s32 @!p0 $0x2D0, s31;
	s16 =	simm.s32 @!p0 $0xEC40;
	[sflag:s14] =	ssyncadd.s32 $0xFFFFEC00  }
0x7d: {  	[tilespmem:s16], [sflag:$0x1] =	stream.indirect.gather @!p0 [hbm4b:s9+s0], $0x40, s1, s0, $0xb8;
	[tilespmem:$0x1C840] =	vst v63  }
0x7e: {  	v1 =	vld [tilespmem:s30+$0x4F60];
	_ =	sdelay $0x7  }
0x7f: {  	[tilespmem:v1+s15+$0x0] =	vst.idx.add.f32.msk $0xffff, v0  }
0x80: {  	v1 =	vld [tilespmem:s30+$0x4F70];
	_ =	sdelay $0x7  }
0x81: {  	[tilespmem:v1+s15+$0x0] =	vst.idx.add.f32.msk $0xffff, v0  }
0x82: {  	v1 =	vld [tilespmem:s30+$0x4F80];
	_ =	sdelay $0x7  }
0x83: {  	[tilespmem:v1+s15+$0x0] =	vst.idx.add.f32.msk $0xffff, v0  }
0x84: {  	v1 =	vld [tilespmem:s30+$0x4F90];
	_ =	sdelay $0x7  }
0x85: {  	[tilespmem:v1+s15+$0x0] =	vst.idx.add.f32.msk $0xffff, v0  }
0x86: {  	v1 =	vld [tilespmem:s30+$0x4FA0];
	_ =	sdelay $0x1  }
0x87: {  	s29 =	sadd.s32 $0x640, s29  }
0x88: {  	p0 =	sne.s32 s29, $0x13880  }
.Ltmp0:
0x89: {  	_ = 	snop;
	(pc) =	sbr.rel @p0 .LBB2_2-.Ltmp0, $2  }
0x8a: {  	_ =	sdelay $0x2  }
0x8b: {  	[tilespmem:v1+s15+$0x0] =	vst.idx.add.f32.msk $0xffff, v0  }
0x8c: {  	[bflag:$0x0] =	sbarrier.arrive $0xFFFF  }
0x8d: {  	[hbm:s10], [sflag:s6] =	dma.local [spmem:s13], $0x1400  }
0x8e: {  	s28 =	sadd.s32 $0x1, s28;
	_ =	swait.ge [sflag:s14], $0x1400  }
0x8f: {  	p0 =	sne.s32 s28, s12;
	[sflag:s14] =	ssyncset.done $0x0  }
.Ltmp1:
0x90: {  	[sflag:s14] =	ssyncadd.s32 $0xFFFFEC00;
	(pc) =	sbr.rel @p0 .LBB2_1-.Ltmp1, $4  }
0x91: {  	[hbm4b:s11+s3] =	stream.linear.scatter [tilespmem:s15], [sflag:$0x2], $0x2800, $0x38;
	[tilespmem:$0x1C840] =	vst v63  }
0x92: {  	_ =	swait.ge [sflag:s14], $0x2800  }
0x93: {  	[sflag:s14] =	ssyncset.done $0x0  }
0x94: {  	[sflag:s14] =	ssyncadd.s32 $0xFFFFD800  }
0x95: {  	_ =	sfence.sel $0x180000  }
0x96: {  	[bflag:$0x0] =	sbarrier.arrive $0xFFFF  }
0x97: {  	_ =	strace $0x90000047  }
0x98: {  	s0 =	stileid.u32;
	[bflag:$0x2] =	sbarrier.arrive $0xFFFF  }
0x99: {  	p0 =	sne.s32 s0, $0x0;
	s0 =	rddreg [dreg:$0x3]  }
0x9a: {  	s0 =	sadd.s32 @!p0 $0x100000, s0  }
0x9b: {  	[sflag:s0] =	ssyncadd.tile.s32 @!p0 $0x1;
	_ =	shalt  }
.Lfunc_end2:
_tile_overlayer_lowered:
.L_overlay_start_2:
0x9c: {  	(tag) =	ssettag $0x2  }
0x9d: {  	s0 =	rddreg [dreg:$0x0];
	s2 =	stileid.u32  }
0x9e: {  	s1 =	rddreg [dreg:$0x1];
	p0 =	sne.s32 s2, $0x0  }
0x9f: {  	s3 =	rddreg [dreg:$0x2];
	[bflag:$0x3] =	sbarrier.arrive $0xFFFF;
	s2 =	simm.s32 @!p0 $0x1C02  }
0xa0: {  	[timem:s3], [sflag:s2] =	dma.local @!p0 [hbm:s0], s1  }
0xa1: {  	s0 =	simm.s32 @!p0 $0x2  }
0xa2: {  	_ =	swait.ge @!p0 [sflag:s0], s1  }
0xa3: {  	s1 =	ssub.s32 @!p0 $0x0, s1;
	[sflag:s0] =	ssyncset.done @!p0 $0x0  }
0xa4: {  	[sflag:s0] =	ssyncadd.s32 @!p0 s1  }
0xa5: {  	[bflag:$0x3] =	sbarrier.arrive $0xFFFF  }
0xa6: {  	_ =	shalt  }

</sc_bundles>
